<compile_context>
chip_gen: v7x
topology: tpu7x:2x2x1
jax: 0.10.2.dev20260603
libtpu: 0.0.44.dev20260713+nightly
codegen_flags: <defaults>
</compile_context>

<pallas_src>
import jax
import jax.numpy as jnp
from jax import lax
from jax.experimental import pallas as pl
from jax.experimental.pallas import tpu as pltpu
from jax.experimental.pallas import tpu_sc as plsc

_KEEP = 26
_EMB = 32
_BATCH = 16384
_L = 128
_NW = 32
_FLAT = _BATCH * _KEEP
_NROWS = _FLAT // _L
_CHUNKS = _NROWS // _NW
_BLK = 13
_NBLK = _CHUNKS // _BLK
_BROWS = _BLK * _L


def _gather_body(idx_hbm, table_hbm, out_hbm, idx_v, buf0, buf1, g0, g1, s0, s1):
    wid = lax.axis_index("s") * 2 + lax.axis_index("c")
    base = wid * _CHUNKS
    pltpu.sync_copy(idx_hbm.at[pl.ds(base, _CHUNKS)], idx_v)

    def issue(blk, buf, gsem):
        for b in range(_BLK):
            pltpu.async_copy(
                table_hbm.at[idx_v.at[blk * _BLK + b]],
                buf.at[pl.ds(b * _L, _L)],
                gsem,
            )

    def wait_gathers(buf, gsem):
        pltpu.make_async_copy(table_hbm.at[pl.ds(0, _BROWS)], buf, gsem).wait()

    def store(blk, buf, ssem):
        pltpu.async_copy(
            buf, out_hbm.at[pl.ds((base + blk * _BLK) * _L, _BROWS)], ssem
        )

    def wait_store(blk, buf, ssem):
        pltpu.make_async_copy(
            buf, out_hbm.at[pl.ds((base + blk * _BLK) * _L, _BROWS)], ssem
        ).wait()

    issue(0, buf0, g0)
    issue(1, buf1, g1)

    def body(i, carry):
        blk0 = 2 * i
        wait_gathers(buf0, g0)
        store(blk0, buf0, s0)
        wait_gathers(buf1, g1)
        store(blk0 + 1, buf1, s1)
        wait_store(blk0, buf0, s0)
        issue(blk0 + 2, buf0, g0)
        wait_store(blk0 + 1, buf1, s1)
        issue(blk0 + 3, buf1, g1)
        return carry

    lax.fori_loop(0, _NBLK // 2 - 1, body, 0)

    last = _NBLK - 2
    wait_gathers(buf0, g0)
    store(last, buf0, s0)
    wait_gathers(buf1, g1)
    store(last + 1, buf1, s1)
    wait_store(last, buf0, s0)
    wait_store(last + 1, buf1, s1)


def kernel(x, table):
    idx = x[:, :_KEEP].reshape(_NROWS, _L)
    mesh = plsc.VectorSubcoreMesh(core_axis_name="c", subcore_axis_name="s")
    out = pl.kernel(
        _gather_body,
        mesh=mesh,
        compiler_params=pltpu.CompilerParams(use_tc_tiling_on_sc=False),
        out_type=jax.ShapeDtypeStruct((_FLAT, _EMB), jnp.float32),
        scratch_types=[
            pltpu.VMEM((_CHUNKS, _L), jnp.int32),
            pltpu.VMEM((_BROWS, _EMB), jnp.float32),
            pltpu.VMEM((_BROWS, _EMB), jnp.float32),
            pltpu.SemaphoreType.DMA,
            pltpu.SemaphoreType.DMA,
            pltpu.SemaphoreType.DMA,
            pltpu.SemaphoreType.DMA,
        ],
    )(idx, table)
    return out.reshape(_BATCH, _KEEP, _EMB)

# --- scband reference (transcript-rebuilt; emitter-appended) ---
"""Pipeline reference for scband-features-embedding-36344013259217 (READ-ONLY COPY).

The authoritative reference and input builder live on the scoring server;
editing this copy changes nothing except your own understanding.
"""

import jax, jax.numpy as jnp
import numpy as np

FIELD_DIMS = 1000000
EMBED_DIMS = 32
CVL = 10
BATCH = 16384
N_COLS = 36


def setup_inputs(seed: int = 0) -> dict:
    key = jax.random.key(seed)
    k1, k2 = jax.random.split(key)
    x = jax.random.randint(k1, (BATCH, N_COLS), 0, FIELD_DIMS, dtype=jnp.int32)
    # xavier_uniform init for the embedding table: bound = sqrt(6 / (fan_in + fan_out))
    bound = float(np.sqrt(6.0 / (FIELD_DIMS + EMBED_DIMS)))
    table = jax.random.uniform(k2, (FIELD_DIMS, EMBED_DIMS), minval=-bound, maxval=bound, dtype=jnp.float32)
    return {"x": x, "table": table}


def reference(x, table):
    # x = x[:, :-cvl]; x = x.long(); emb = Embedding(x)
    idx = x[:, :-CVL]
    selected_embedding = jnp.take(table, idx, axis=0)
    return selected_embedding

if __name__ == "__main__":
    import jax
    _d = setup_inputs()
    print(jax.jit(kernel)(*tuple(_d.values())))

</pallas_src>

<mosaic_0001>
#map = affine_map<(d0, d1) -> (0, 0)>
module attributes {stable_mosaic.version = 14 : i64} {
  func.func @_gather_body(%arg0: i32, %arg1: i32, %arg2: memref<3328x128xi32, #tpu.memory_space<hbm>>, %arg3: memref<1000000x32xf32, #tpu.memory_space<hbm>>, %arg4: memref<425984x32xf32, #tpu.memory_space<hbm>>, %arg5: memref<104x128xi32, #tpu.memory_space<vmem>>, %arg6: memref<1664x32xf32, #tpu.memory_space<vmem>>, %arg7: memref<1664x32xf32, #tpu.memory_space<vmem>>, %arg8: memref<!tpu.dma_semaphore, #tpu.memory_space<semaphore_mem>>, %arg9: memref<!tpu.dma_semaphore, #tpu.memory_space<semaphore_mem>>, %arg10: memref<!tpu.dma_semaphore, #tpu.memory_space<semaphore_mem>>, %arg11: memref<!tpu.dma_semaphore, #tpu.memory_space<semaphore_mem>>) attributes {dimension_semantics = [#tpu.dimension_semantics<core_parallel>, #tpu.dimension_semantics<subcore_parallel>], iteration_bounds = array<i64: 2, 16>, scalar_prefetch = 0 : i64, scratch_operands = 7 : i64, tpu.core_type = #tpu.core_type<sc_vector_subcore>, window_params = [{transform_indices = #map}, {transform_indices = #map}, {transform_indices = #map}]} {
    %mul3A = arith.constant 2 : i32
    %mul3A_0 = arith.muli %arg1, %mul3A : i32
    %add3A = arith.addi %mul3A_0, %arg0 : i32
    %mul3A_1 = arith.constant 104 : i32
    %mul3A_2 = arith.muli %add3A, %mul3A_1 : i32
    "tpu.region"() ({
      %run_scoped3A = tpu.sem_alloc : memref<!tpu.dma_semaphore, #tpu.memory_space<semaphore_mem>>
      %dma_start3A_310 = arith.constant 0 : i32
      %dma_start3A_311 = tpu.memref_slice %arg2[%mul3A_2, %dma_start3A_310] : memref<3328x128xi32, #tpu.memory_space<hbm>> -> memref<104x128xi32, #tpu.memory_space<hbm>>
      %dma_start3A_312 = arith.constant 0 : i32
      %dma_start3A_313 = tpu.memref_slice %arg2[%mul3A_2, %dma_start3A_312] : memref<3328x128xi32, #tpu.memory_space<hbm>> -> memref<104x128xi32, #tpu.memory_space<hbm>>
      tpu.enqueue_dma source(%dma_start3A_313 : memref<104x128xi32, #tpu.memory_space<hbm>>) target(%arg5 : memref<104x128xi32, #tpu.memory_space<vmem>>) target_semaphore(%run_scoped3A : memref<!tpu.dma_semaphore, #tpu.memory_space<semaphore_mem>>)
      %dma_wait3A_314 = arith.constant 0 : i32
      %dma_wait3A_315 = tpu.memref_slice %arg2[%mul3A_2, %dma_wait3A_314] : memref<3328x128xi32, #tpu.memory_space<hbm>> -> memref<104x128xi32, #tpu.memory_space<hbm>>
      %dma_wait3A_316 = arith.constant 0 : i32
      %dma_wait3A_317 = tpu.memref_slice %arg2[%mul3A_2, %dma_wait3A_316] : memref<3328x128xi32, #tpu.memory_space<hbm>> -> memref<104x128xi32, #tpu.memory_space<hbm>>
      tpu.wait_dma2 semaphore(%run_scoped3A : memref<!tpu.dma_semaphore, #tpu.memory_space<semaphore_mem>>) src(%dma_wait3A_317 : memref<104x128xi32, #tpu.memory_space<hbm>>) dst(%arg5 : memref<104x128xi32, #tpu.memory_space<vmem>>)
      tpu.yield
    }) : () -> ()
    %dma_start3A = arith.constant 0 : i32
    %dma_start3A_3 = arith.constant 0 : i32
    %dma_start3A_4 = arith.constant 0 : i32
    %dma_start3A_5 = tpu.memref_slice %arg6[%dma_start3A_3, %dma_start3A_4] : memref<1664x32xf32, #tpu.memory_space<vmem>> -> memref<128x32xf32, #tpu.memory_space<vmem>>
    %dma_start3A_6 = arith.constant 0 : i32
    %dma_start3A_7 = tpu.memref_slice %arg5[%dma_start3A, %dma_start3A_6] : memref<104x128xi32, #tpu.memory_space<vmem>> -> memref<1x128xi32, #tpu.memory_space<vmem>>
    %dma_start3A_8 = tpu.memref_squeeze %dma_start3A_7 : memref<1x128xi32, #tpu.memory_space<vmem>> -> memref<128xi32, #tpu.memory_space<vmem>>
    %dma_start3A_9 = arith.constant 0 : i32
    %dma_start3A_10 = arith.constant 0 : i32
    %dma_start3A_11 = tpu.memref_slice %arg3[%dma_start3A_9, %dma_start3A_10] : memref<1000000x32xf32, #tpu.memory_space<hbm>> -> memref<1000000x32xf32, #tpu.memory_space<hbm>>
    tpu.enqueue_indirect_dma source(%dma_start3A_11 : memref<1000000x32xf32, #tpu.memory_space<hbm>>) target(%dma_start3A_5 : memref<128x32xf32, #tpu.memory_space<vmem>>) offsets(%dma_start3A_8 : memref<128xi32, #tpu.memory_space<vmem>>) semaphore(%arg8 : memref<!tpu.dma_semaphore, #tpu.memory_space<semaphore_mem>>)
    %dma_start3A_12 = arith.constant 1 : i32
    %dma_start3A_13 = arith.constant 128 : i32
    %dma_start3A_14 = arith.constant 0 : i32
    %dma_start3A_15 = tpu.memref_slice %arg6[%dma_start3A_13, %dma_start3A_14] : memref<1664x32xf32, #tpu.memory_space<vmem>> -> memref<128x32xf32, #tpu.memory_space<vmem>>
    %dma_start3A_16 = arith.constant 0 : i32
    %dma_start3A_17 = tpu.memref_slice %arg5[%dma_start3A_12, %dma_start3A_16] : memref<104x128xi32, #tpu.memory_space<vmem>> -> memref<1x128xi32, #tpu.memory_space<vmem>>
    %dma_start3A_18 = tpu.memref_squeeze %dma_start3A_17 : memref<1x128xi32, #tpu.memory_space<vmem>> -> memref<128xi32, #tpu.memory_space<vmem>>
    %dma_start3A_19 = arith.constant 0 : i32
    %dma_start3A_20 = arith.constant 0 : i32
    %dma_start3A_21 = tpu.memref_slice %arg3[%dma_start3A_19, %dma_start3A_20] : memref<1000000x32xf32, #tpu.memory_space<hbm>> -> memref<1000000x32xf32, #tpu.memory_space<hbm>>
    tpu.enqueue_indirect_dma source(%dma_start3A_21 : memref<1000000x32xf32, #tpu.memory_space<hbm>>) target(%dma_start3A_15 : memref<128x32xf32, #tpu.memory_space<vmem>>) offsets(%dma_start3A_18 : memref<128xi32, #tpu.memory_space<vmem>>) semaphore(%arg8 : memref<!tpu.dma_semaphore, #tpu.memory_space<semaphore_mem>>)
    %dma_start3A_22 = arith.constant 2 : i32
    %dma_start3A_23 = arith.constant 256 : i32
    %dma_start3A_24 = arith.constant 0 : i32
    %dma_start3A_25 = tpu.memref_slice %arg6[%dma_start3A_23, %dma_start3A_24] : memref<1664x32xf32, #tpu.memory_space<vmem>> -> memref<128x32xf32, #tpu.memory_space<vmem>>
    %dma_start3A_26 = arith.constant 0 : i32
    %dma_start3A_27 = tpu.memref_slice %arg5[%dma_start3A_22, %dma_start3A_26] : memref<104x128xi32, #tpu.memory_space<vmem>> -> memref<1x128xi32, #tpu.memory_space<vmem>>
    %dma_start3A_28 = tpu.memref_squeeze %dma_start3A_27 : memref<1x128xi32, #tpu.memory_space<vmem>> -> memref<128xi32, #tpu.memory_space<vmem>>
    %dma_start3A_29 = arith.constant 0 : i32
    %dma_start3A_30 = arith.constant 0 : i32
    %dma_start3A_31 = tpu.memref_slice %arg3[%dma_start3A_29, %dma_start3A_30] : memref<1000000x32xf32, #tpu.memory_space<hbm>> -> memref<1000000x32xf32, #tpu.memory_space<hbm>>
    tpu.enqueue_indirect_dma source(%dma_start3A_31 : memref<1000000x32xf32, #tpu.memory_space<hbm>>) target(%dma_start3A_25 : memref<128x32xf32, #tpu.memory_space<vmem>>) offsets(%dma_start3A_28 : memref<128xi32, #tpu.memory_space<vmem>>) semaphore(%arg8 : memref<!tpu.dma_semaphore, #tpu.memory_space<semaphore_mem>>)
    %dma_start3A_32 = arith.constant 3 : i32
    %dma_start3A_33 = arith.constant 384 : i32
    %dma_start3A_34 = arith.constant 0 : i32
    %dma_start3A_35 = tpu.memref_slice %arg6[%dma_start3A_33, %dma_start3A_34] : memref<1664x32xf32, #tpu.memory_space<vmem>> -> memref<128x32xf32, #tpu.memory_space<vmem>>
    %dma_start3A_36 = arith.constant 0 : i32
    %dma_start3A_37 = tpu.memref_slice %arg5[%dma_start3A_32, %dma_start3A_36] : memref<104x128xi32, #tpu.memory_space<vmem>> -> memref<1x128xi32, #tpu.memory_space<vmem>>
    %dma_start3A_38 = tpu.memref_squeeze %dma_start3A_37 : memref<1x128xi32, #tpu.memory_space<vmem>> -> memref<128xi32, #tpu.memory_space<vmem>>
    %dma_start3A_39 = arith.constant 0 : i32
    %dma_start3A_40 = arith.constant 0 : i32
    %dma_start3A_41 = tpu.memref_slice %arg3[%dma_start3A_39, %dma_start3A_40] : memref<1000000x32xf32, #tpu.memory_space<hbm>> -> memref<1000000x32xf32, #tpu.memory_space<hbm>>
    tpu.enqueue_indirect_dma source(%dma_start3A_41 : memref<1000000x32xf32, #tpu.memory_space<hbm>>) target(%dma_start3A_35 : memref<128x32xf32, #tpu.memory_space<vmem>>) offsets(%dma_start3A_38 : memref<128xi32, #tpu.memory_space<vmem>>) semaphore(%arg8 : memref<!tpu.dma_semaphore, #tpu.memory_space<semaphore_mem>>)
    %dma_start3A_42 = arith.constant 4 : i32
    %dma_start3A_43 = arith.constant 512 : i32
    %dma_start3A_44 = arith.constant 0 : i32
    %dma_start3A_45 = tpu.memref_slice %arg6[%dma_start3A_43, %dma_start3A_44] : memref<1664x32xf32, #tpu.memory_space<vmem>> -> memref<128x32xf32, #tpu.memory_space<vmem>>
    %dma_start3A_46 = arith.constant 0 : i32
    %dma_start3A_47 = tpu.memref_slice %arg5[%dma_start3A_42, %dma_start3A_46] : memref<104x128xi32, #tpu.memory_space<vmem>> -> memref<1x128xi32, #tpu.memory_space<vmem>>
    %dma_start3A_48 = tpu.memref_squeeze %dma_start3A_47 : memref<1x128xi32, #tpu.memory_space<vmem>> -> memref<128xi32, #tpu.memory_space<vmem>>
    %dma_start3A_49 = arith.constant 0 : i32
    %dma_start3A_50 = arith.constant 0 : i32
    %dma_start3A_51 = tpu.memref_slice %arg3[%dma_start3A_49, %dma_start3A_50] : memref<1000000x32xf32, #tpu.memory_space<hbm>> -> memref<1000000x32xf32, #tpu.memory_space<hbm>>
    tpu.enqueue_indirect_dma source(%dma_start3A_51 : memref<1000000x32xf32, #tpu.memory_space<hbm>>) target(%dma_start3A_45 : memref<128x32xf32, #tpu.memory_space<vmem>>) offsets(%dma_start3A_48 : memref<128xi32, #tpu.memory_space<vmem>>) semaphore(%arg8 : memref<!tpu.dma_semaphore, #tpu.memory_space<semaphore_mem>>)
    %dma_start3A_52 = arith.constant 5 : i32
    %dma_start3A_53 = arith.constant 640 : i32
    %dma_start3A_54 = arith.constant 0 : i32
    %dma_start3A_55 = tpu.memref_slice %arg6[%dma_start3A_53, %dma_start3A_54] : memref<1664x32xf32, #tpu.memory_space<vmem>> -> memref<128x32xf32, #tpu.memory_space<vmem>>
    %dma_start3A_56 = arith.constant 0 : i32
    %dma_start3A_57 = tpu.memref_slice %arg5[%dma_start3A_52, %dma_start3A_56] : memref<104x128xi32, #tpu.memory_space<vmem>> -> memref<1x128xi32, #tpu.memory_space<vmem>>
    %dma_start3A_58 = tpu.memref_squeeze %dma_start3A_57 : memref<1x128xi32, #tpu.memory_space<vmem>> -> memref<128xi32, #tpu.memory_space<vmem>>
    %dma_start3A_59 = arith.constant 0 : i32
    %dma_start3A_60 = arith.constant 0 : i32
    %dma_start3A_61 = tpu.memref_slice %arg3[%dma_start3A_59, %dma_start3A_60] : memref<1000000x32xf32, #tpu.memory_space<hbm>> -> memref<1000000x32xf32, #tpu.memory_space<hbm>>
    tpu.enqueue_indirect_dma source(%dma_start3A_61 : memref<1000000x32xf32, #tpu.memory_space<hbm>>) target(%dma_start3A_55 : memref<128x32xf32, #tpu.memory_space<vmem>>) offsets(%dma_start3A_58 : memref<128xi32, #tpu.memory_space<vmem>>) semaphore(%arg8 : memref<!tpu.dma_semaphore, #tpu.memory_space<semaphore_mem>>)
    %dma_start3A_62 = arith.constant 6 : i32
    %dma_start3A_63 = arith.constant 768 : i32
    %dma_start3A_64 = arith.constant 0 : i32
    %dma_start3A_65 = tpu.memref_slice %arg6[%dma_start3A_63, %dma_start3A_64] : memref<1664x32xf32, #tpu.memory_space<vmem>> -> memref<128x32xf32, #tpu.memory_space<vmem>>
    %dma_start3A_66 = arith.constant 0 : i32
    %dma_start3A_67 = tpu.memref_slice %arg5[%dma_start3A_62, %dma_start3A_66] : memref<104x128xi32, #tpu.memory_space<vmem>> -> memref<1x128xi32, #tpu.memory_space<vmem>>
    %dma_start3A_68 = tpu.memref_squeeze %dma_start3A_67 : memref<1x128xi32, #tpu.memory_space<vmem>> -> memref<128xi32, #tpu.memory_space<vmem>>
    %dma_start3A_69 = arith.constant 0 : i32
    %dma_start3A_70 = arith.constant 0 : i32
    %dma_start3A_71 = tpu.memref_slice %arg3[%dma_start3A_69, %dma_start3A_70] : memref<1000000x32xf32, #tpu.memory_space<hbm>> -> memref<1000000x32xf32, #tpu.memory_space<hbm>>
    tpu.enqueue_indirect_dma source(%dma_start3A_71 : memref<1000000x32xf32, #tpu.memory_space<hbm>>) target(%dma_start3A_65 : memref<128x32xf32, #tpu.memory_space<vmem>>) offsets(%dma_start3A_68 : memref<128xi32, #tpu.memory_space<vmem>>) semaphore(%arg8 : memref<!tpu.dma_semaphore, #tpu.memory_space<semaphore_mem>>)
    %dma_start3A_72 = arith.constant 7 : i32
    %dma_start3A_73 = arith.constant 896 : i32
    %dma_start3A_74 = arith.constant 0 : i32
    %dma_start3A_75 = tpu.memref_slice %arg6[%dma_start3A_73, %dma_start3A_74] : memref<1664x32xf32, #tpu.memory_space<vmem>> -> memref<128x32xf32, #tpu.memory_space<vmem>>
    %dma_start3A_76 = arith.constant 0 : i32
    %dma_start3A_77 = tpu.memref_slice %arg5[%dma_start3A_72, %dma_start3A_76] : memref<104x128xi32, #tpu.memory_space<vmem>> -> memref<1x128xi32, #tpu.memory_space<vmem>>
    %dma_start3A_78 = tpu.memref_squeeze %dma_start3A_77 : memref<1x128xi32, #tpu.memory_space<vmem>> -> memref<128xi32, #tpu.memory_space<vmem>>
    %dma_start3A_79 = arith.constant 0 : i32
    %dma_start3A_80 = arith.constant 0 : i32
    %dma_start3A_81 = tpu.memref_slice %arg3[%dma_start3A_79, %dma_start3A_80] : memref<1000000x32xf32, #tpu.memory_space<hbm>> -> memref<1000000x32xf32, #tpu.memory_space<hbm>>
    tpu.enqueue_indirect_dma source(%dma_start3A_81 : memref<1000000x32xf32, #tpu.memory_space<hbm>>) target(%dma_start3A_75 : memref<128x32xf32, #tpu.memory_space<vmem>>) offsets(%dma_start3A_78 : memref<128xi32, #tpu.memory_space<vmem>>) semaphore(%arg8 : memref<!tpu.dma_semaphore, #tpu.memory_space<semaphore_mem>>)
    %dma_start3A_82 = arith.constant 8 : i32
    %dma_start3A_83 = arith.constant 1024 : i32
    %dma_start3A_84 = arith.constant 0 : i32
    %dma_start3A_85 = tpu.memref_slice %arg6[%dma_start3A_83, %dma_start3A_84] : memref<1664x32xf32, #tpu.memory_space<vmem>> -> memref<128x32xf32, #tpu.memory_space<vmem>>
    %dma_start3A_86 = arith.constant 0 : i32
    %dma_start3A_87 = tpu.memref_slice %arg5[%dma_start3A_82, %dma_start3A_86] : memref<104x128xi32, #tpu.memory_space<vmem>> -> memref<1x128xi32, #tpu.memory_space<vmem>>
    %dma_start3A_88 = tpu.memref_squeeze %dma_start3A_87 : memref<1x128xi32, #tpu.memory_space<vmem>> -> memref<128xi32, #tpu.memory_space<vmem>>
    %dma_start3A_89 = arith.constant 0 : i32
    %dma_start3A_90 = arith.constant 0 : i32
    %dma_start3A_91 = tpu.memref_slice %arg3[%dma_start3A_89, %dma_start3A_90] : memref<1000000x32xf32, #tpu.memory_space<hbm>> -> memref<1000000x32xf32, #tpu.memory_space<hbm>>
    tpu.enqueue_indirect_dma source(%dma_start3A_91 : memref<1000000x32xf32, #tpu.memory_space<hbm>>) target(%dma_start3A_85 : memref<128x32xf32, #tpu.memory_space<vmem>>) offsets(%dma_start3A_88 : memref<128xi32, #tpu.memory_space<vmem>>) semaphore(%arg8 : memref<!tpu.dma_semaphore, #tpu.memory_space<semaphore_mem>>)
    %dma_start3A_92 = arith.constant 9 : i32
    %dma_start3A_93 = arith.constant 1152 : i32
    %dma_start3A_94 = arith.constant 0 : i32
    %dma_start3A_95 = tpu.memref_slice %arg6[%dma_start3A_93, %dma_start3A_94] : memref<1664x32xf32, #tpu.memory_space<vmem>> -> memref<128x32xf32, #tpu.memory_space<vmem>>
    %dma_start3A_96 = arith.constant 0 : i32
    %dma_start3A_97 = tpu.memref_slice %arg5[%dma_start3A_92, %dma_start3A_96] : memref<104x128xi32, #tpu.memory_space<vmem>> -> memref<1x128xi32, #tpu.memory_space<vmem>>
    %dma_start3A_98 = tpu.memref_squeeze %dma_start3A_97 : memref<1x128xi32, #tpu.memory_space<vmem>> -> memref<128xi32, #tpu.memory_space<vmem>>
    %dma_start3A_99 = arith.constant 0 : i32
    %dma_start3A_100 = arith.constant 0 : i32
    %dma_start3A_101 = tpu.memref_slice %arg3[%dma_start3A_99, %dma_start3A_100] : memref<1000000x32xf32, #tpu.memory_space<hbm>> -> memref<1000000x32xf32, #tpu.memory_space<hbm>>
    tpu.enqueue_indirect_dma source(%dma_start3A_101 : memref<1000000x32xf32, #tpu.memory_space<hbm>>) target(%dma_start3A_95 : memref<128x32xf32, #tpu.memory_space<vmem>>) offsets(%dma_start3A_98 : memref<128xi32, #tpu.memory_space<vmem>>) semaphore(%arg8 : memref<!tpu.dma_semaphore, #tpu.memory_space<semaphore_mem>>)
    %dma_start3A_102 = arith.constant 10 : i32
    %dma_start3A_103 = arith.constant 1280 : i32
    %dma_start3A_104 = arith.constant 0 : i32
    %dma_start3A_105 = tpu.memref_slice %arg6[%dma_start3A_103, %dma_start3A_104] : memref<1664x32xf32, #tpu.memory_space<vmem>> -> memref<128x32xf32, #tpu.memory_space<vmem>>
    %dma_start3A_106 = arith.constant 0 : i32
    %dma_start3A_107 = tpu.memref_slice %arg5[%dma_start3A_102, %dma_start3A_106] : memref<104x128xi32, #tpu.memory_space<vmem>> -> memref<1x128xi32, #tpu.memory_space<vmem>>
    %dma_start3A_108 = tpu.memref_squeeze %dma_start3A_107 : memref<1x128xi32, #tpu.memory_space<vmem>> -> memref<128xi32, #tpu.memory_space<vmem>>
    %dma_start3A_109 = arith.constant 0 : i32
    %dma_start3A_110 = arith.constant 0 : i32
    %dma_start3A_111 = tpu.memref_slice %arg3[%dma_start3A_109, %dma_start3A_110] : memref<1000000x32xf32, #tpu.memory_space<hbm>> -> memref<1000000x32xf32, #tpu.memory_space<hbm>>
    tpu.enqueue_indirect_dma source(%dma_start3A_111 : memref<1000000x32xf32, #tpu.memory_space<hbm>>) target(%dma_start3A_105 : memref<128x32xf32, #tpu.memory_space<vmem>>) offsets(%dma_start3A_108 : memref<128xi32, #tpu.memory_space<vmem>>) semaphore(%arg8 : memref<!tpu.dma_semaphore, #tpu.memory_space<semaphore_mem>>)
    %dma_start3A_112 = arith.constant 11 : i32
    %dma_start3A_113 = arith.constant 1408 : i32
    %dma_start3A_114 = arith.constant 0 : i32
    %dma_start3A_115 = tpu.memref_slice %arg6[%dma_start3A_113, %dma_start3A_114] : memref<1664x32xf32, #tpu.memory_space<vmem>> -> memref<128x32xf32, #tpu.memory_space<vmem>>
    %dma_start3A_116 = arith.constant 0 : i32
    %dma_start3A_117 = tpu.memref_slice %arg5[%dma_start3A_112, %dma_start3A_116] : memref<104x128xi32, #tpu.memory_space<vmem>> -> memref<1x128xi32, #tpu.memory_space<vmem>>
    %dma_start3A_118 = tpu.memref_squeeze %dma_start3A_117 : memref<1x128xi32, #tpu.memory_space<vmem>> -> memref<128xi32, #tpu.memory_space<vmem>>
    %dma_start3A_119 = arith.constant 0 : i32
    %dma_start3A_120 = arith.constant 0 : i32
    %dma_start3A_121 = tpu.memref_slice %arg3[%dma_start3A_119, %dma_start3A_120] : memref<1000000x32xf32, #tpu.memory_space<hbm>> -> memref<1000000x32xf32, #tpu.memory_space<hbm>>
    tpu.enqueue_indirect_dma source(%dma_start3A_121 : memref<1000000x32xf32, #tpu.memory_space<hbm>>) target(%dma_start3A_115 : memref<128x32xf32, #tpu.memory_space<vmem>>) offsets(%dma_start3A_118 : memref<128xi32, #tpu.memory_space<vmem>>) semaphore(%arg8 : memref<!tpu.dma_semaphore, #tpu.memory_space<semaphore_mem>>)
    %dma_start3A_122 = arith.constant 12 : i32
    %dma_start3A_123 = arith.constant 1536 : i32
    %dma_start3A_124 = arith.constant 0 : i32
    %dma_start3A_125 = tpu.memref_slice %arg6[%dma_start3A_123, %dma_start3A_124] : memref<1664x32xf32, #tpu.memory_space<vmem>> -> memref<128x32xf32, #tpu.memory_space<vmem>>
    %dma_start3A_126 = arith.constant 0 : i32
    %dma_start3A_127 = tpu.memref_slice %arg5[%dma_start3A_122, %dma_start3A_126] : memref<104x128xi32, #tpu.memory_space<vmem>> -> memref<1x128xi32, #tpu.memory_space<vmem>>
    %dma_start3A_128 = tpu.memref_squeeze %dma_start3A_127 : memref<1x128xi32, #tpu.memory_space<vmem>> -> memref<128xi32, #tpu.memory_space<vmem>>
    %dma_start3A_129 = arith.constant 0 : i32
    %dma_start3A_130 = arith.constant 0 : i32
    %dma_start3A_131 = tpu.memref_slice %arg3[%dma_start3A_129, %dma_start3A_130] : memref<1000000x32xf32, #tpu.memory_space<hbm>> -> memref<1000000x32xf32, #tpu.memory_space<hbm>>
    tpu.enqueue_indirect_dma source(%dma_start3A_131 : memref<1000000x32xf32, #tpu.memory_space<hbm>>) target(%dma_start3A_125 : memref<128x32xf32, #tpu.memory_space<vmem>>) offsets(%dma_start3A_128 : memref<128xi32, #tpu.memory_space<vmem>>) semaphore(%arg8 : memref<!tpu.dma_semaphore, #tpu.memory_space<semaphore_mem>>)
    %dma_start3A_132 = arith.constant 13 : i32
    %dma_start3A_133 = arith.constant 0 : i32
    %dma_start3A_134 = arith.constant 0 : i32
    %dma_start3A_135 = tpu.memref_slice %arg7[%dma_start3A_133, %dma_start3A_134] : memref<1664x32xf32, #tpu.memory_space<vmem>> -> memref<128x32xf32, #tpu.memory_space<vmem>>
    %dma_start3A_136 = arith.constant 0 : i32
    %dma_start3A_137 = tpu.memref_slice %arg5[%dma_start3A_132, %dma_start3A_136] : memref<104x128xi32, #tpu.memory_space<vmem>> -> memref<1x128xi32, #tpu.memory_space<vmem>>
    %dma_start3A_138 = tpu.memref_squeeze %dma_start3A_137 : memref<1x128xi32, #tpu.memory_space<vmem>> -> memref<128xi32, #tpu.memory_space<vmem>>
    %dma_start3A_139 = arith.constant 0 : i32
    %dma_start3A_140 = arith.constant 0 : i32
    %dma_start3A_141 = tpu.memref_slice %arg3[%dma_start3A_139, %dma_start3A_140] : memref<1000000x32xf32, #tpu.memory_space<hbm>> -> memref<1000000x32xf32, #tpu.memory_space<hbm>>
    tpu.enqueue_indirect_dma source(%dma_start3A_141 : memref<1000000x32xf32, #tpu.memory_space<hbm>>) target(%dma_start3A_135 : memref<128x32xf32, #tpu.memory_space<vmem>>) offsets(%dma_start3A_138 : memref<128xi32, #tpu.memory_space<vmem>>) semaphore(%arg9 : memref<!tpu.dma_semaphore, #tpu.memory_space<semaphore_mem>>)
    %dma_start3A_142 = arith.constant 14 : i32
    %dma_start3A_143 = arith.constant 128 : i32
    %dma_start3A_144 = arith.constant 0 : i32
    %dma_start3A_145 = tpu.memref_slice %arg7[%dma_start3A_143, %dma_start3A_144] : memref<1664x32xf32, #tpu.memory_space<vmem>> -> memref<128x32xf32, #tpu.memory_space<vmem>>
    %dma_start3A_146 = arith.constant 0 : i32
    %dma_start3A_147 = tpu.memref_slice %arg5[%dma_start3A_142, %dma_start3A_146] : memref<104x128xi32, #tpu.memory_space<vmem>> -> memref<1x128xi32, #tpu.memory_space<vmem>>
    %dma_start3A_148 = tpu.memref_squeeze %dma_start3A_147 : memref<1x128xi32, #tpu.memory_space<vmem>> -> memref<128xi32, #tpu.memory_space<vmem>>
    %dma_start3A_149 = arith.constant 0 : i32
    %dma_start3A_150 = arith.constant 0 : i32
    %dma_start3A_151 = tpu.memref_slice %arg3[%dma_start3A_149, %dma_start3A_150] : memref<1000000x32xf32, #tpu.memory_space<hbm>> -> memref<1000000x32xf32, #tpu.memory_space<hbm>>
    tpu.enqueue_indirect_dma source(%dma_start3A_151 : memref<1000000x32xf32, #tpu.memory_space<hbm>>) target(%dma_start3A_145 : memref<128x32xf32, #tpu.memory_space<vmem>>) offsets(%dma_start3A_148 : memref<128xi32, #tpu.memory_space<vmem>>) semaphore(%arg9 : memref<!tpu.dma_semaphore, #tpu.memory_space<semaphore_mem>>)
    %dma_start3A_152 = arith.constant 15 : i32
    %dma_start3A_153 = arith.constant 256 : i32
    %dma_start3A_154 = arith.constant 0 : i32
    %dma_start3A_155 = tpu.memref_slice %arg7[%dma_start3A_153, %dma_start3A_154] : memref<1664x32xf32, #tpu.memory_space<vmem>> -> memref<128x32xf32, #tpu.memory_space<vmem>>
    %dma_start3A_156 = arith.constant 0 : i32
    %dma_start3A_157 = tpu.memref_slice %arg5[%dma_start3A_152, %dma_start3A_156] : memref<104x128xi32, #tpu.memory_space<vmem>> -> memref<1x128xi32, #tpu.memory_space<vmem>>
    %dma_start3A_158 = tpu.memref_squeeze %dma_start3A_157 : memref<1x128xi32, #tpu.memory_space<vmem>> -> memref<128xi32, #tpu.memory_space<vmem>>
    %dma_start3A_159 = arith.constant 0 : i32
    %dma_start3A_160 = arith.constant 0 : i32
    %dma_start3A_161 = tpu.memref_slice %arg3[%dma_start3A_159, %dma_start3A_160] : memref<1000000x32xf32, #tpu.memory_space<hbm>> -> memref<1000000x32xf32, #tpu.memory_space<hbm>>
    tpu.enqueue_indirect_dma source(%dma_start3A_161 : memref<1000000x32xf32, #tpu.memory_space<hbm>>) target(%dma_start3A_155 : memref<128x32xf32, #tpu.memory_space<vmem>>) offsets(%dma_start3A_158 : memref<128xi32, #tpu.memory_space<vmem>>) semaphore(%arg9 : memref<!tpu.dma_semaphore, #tpu.memory_space<semaphore_mem>>)
    %dma_start3A_162 = arith.constant 16 : i32
    %dma_start3A_163 = arith.constant 384 : i32
    %dma_start3A_164 = arith.constant 0 : i32
    %dma_start3A_165 = tpu.memref_slice %arg7[%dma_start3A_163, %dma_start3A_164] : memref<1664x32xf32, #tpu.memory_space<vmem>> -> memref<128x32xf32, #tpu.memory_space<vmem>>
    %dma_start3A_166 = arith.constant 0 : i32
    %dma_start3A_167 = tpu.memref_slice %arg5[%dma_start3A_162, %dma_start3A_166] : memref<104x128xi32, #tpu.memory_space<vmem>> -> memref<1x128xi32, #tpu.memory_space<vmem>>
    %dma_start3A_168 = tpu.memref_squeeze %dma_start3A_167 : memref<1x128xi32, #tpu.memory_space<vmem>> -> memref<128xi32, #tpu.memory_space<vmem>>
    %dma_start3A_169 = arith.constant 0 : i32
    %dma_start3A_170 = arith.constant 0 : i32
    %dma_start3A_171 = tpu.memref_slice %arg3[%dma_start3A_169, %dma_start3A_170] : memref<1000000x32xf32, #tpu.memory_space<hbm>> -> memref<1000000x32xf32, #tpu.memory_space<hbm>>
    tpu.enqueue_indirect_dma source(%dma_start3A_171 : memref<1000000x32xf32, #tpu.memory_space<hbm>>) target(%dma_start3A_165 : memref<128x32xf32, #tpu.memory_space<vmem>>) offsets(%dma_start3A_168 : memref<128xi32, #tpu.memory_space<vmem>>) semaphore(%arg9 : memref<!tpu.dma_semaphore, #tpu.memory_space<semaphore_mem>>)
    %dma_start3A_172 = arith.constant 17 : i32
    %dma_start3A_173 = arith.constant 512 : i32
    %dma_start3A_174 = arith.constant 0 : i32
    %dma_start3A_175 = tpu.memref_slice %arg7[%dma_start3A_173, %dma_start3A_174] : memref<1664x32xf32, #tpu.memory_space<vmem>> -> memref<128x32xf32, #tpu.memory_space<vmem>>
    %dma_start3A_176 = arith.constant 0 : i32
    %dma_start3A_177 = tpu.memref_slice %arg5[%dma_start3A_172, %dma_start3A_176] : memref<104x128xi32, #tpu.memory_space<vmem>> -> memref<1x128xi32, #tpu.memory_space<vmem>>
    %dma_start3A_178 = tpu.memref_squeeze %dma_start3A_177 : memref<1x128xi32, #tpu.memory_space<vmem>> -> memref<128xi32, #tpu.memory_space<vmem>>
    %dma_start3A_179 = arith.constant 0 : i32
    %dma_start3A_180 = arith.constant 0 : i32
    %dma_start3A_181 = tpu.memref_slice %arg3[%dma_start3A_179, %dma_start3A_180] : memref<1000000x32xf32, #tpu.memory_space<hbm>> -> memref<1000000x32xf32, #tpu.memory_space<hbm>>
    tpu.enqueue_indirect_dma source(%dma_start3A_181 : memref<1000000x32xf32, #tpu.memory_space<hbm>>) target(%dma_start3A_175 : memref<128x32xf32, #tpu.memory_space<vmem>>) offsets(%dma_start3A_178 : memref<128xi32, #tpu.memory_space<vmem>>) semaphore(%arg9 : memref<!tpu.dma_semaphore, #tpu.memory_space<semaphore_mem>>)
    %dma_start3A_182 = arith.constant 18 : i32
    %dma_start3A_183 = arith.constant 640 : i32
    %dma_start3A_184 = arith.constant 0 : i32
    %dma_start3A_185 = tpu.memref_slice %arg7[%dma_start3A_183, %dma_start3A_184] : memref<1664x32xf32, #tpu.memory_space<vmem>> -> memref<128x32xf32, #tpu.memory_space<vmem>>
    %dma_start3A_186 = arith.constant 0 : i32
    %dma_start3A_187 = tpu.memref_slice %arg5[%dma_start3A_182, %dma_start3A_186] : memref<104x128xi32, #tpu.memory_space<vmem>> -> memref<1x128xi32, #tpu.memory_space<vmem>>
    %dma_start3A_188 = tpu.memref_squeeze %dma_start3A_187 : memref<1x128xi32, #tpu.memory_space<vmem>> -> memref<128xi32, #tpu.memory_space<vmem>>
    %dma_start3A_189 = arith.constant 0 : i32
    %dma_start3A_190 = arith.constant 0 : i32
    %dma_start3A_191 = tpu.memref_slice %arg3[%dma_start3A_189, %dma_start3A_190] : memref<1000000x32xf32, #tpu.memory_space<hbm>> -> memref<1000000x32xf32, #tpu.memory_space<hbm>>
    tpu.enqueue_indirect_dma source(%dma_start3A_191 : memref<1000000x32xf32, #tpu.memory_space<hbm>>) target(%dma_start3A_185 : memref<128x32xf32, #tpu.memory_space<vmem>>) offsets(%dma_start3A_188 : memref<128xi32, #tpu.memory_space<vmem>>) semaphore(%arg9 : memref<!tpu.dma_semaphore, #tpu.memory_space<semaphore_mem>>)
    %dma_start3A_192 = arith.constant 19 : i32
    %dma_start3A_193 = arith.constant 768 : i32
    %dma_start3A_194 = arith.constant 0 : i32
    %dma_start3A_195 = tpu.memref_slice %arg7[%dma_start3A_193, %dma_start3A_194] : memref<1664x32xf32, #tpu.memory_space<vmem>> -> memref<128x32xf32, #tpu.memory_space<vmem>>
    %dma_start3A_196 = arith.constant 0 : i32
    %dma_start3A_197 = tpu.memref_slice %arg5[%dma_start3A_192, %dma_start3A_196] : memref<104x128xi32, #tpu.memory_space<vmem>> -> memref<1x128xi32, #tpu.memory_space<vmem>>
    %dma_start3A_198 = tpu.memref_squeeze %dma_start3A_197 : memref<1x128xi32, #tpu.memory_space<vmem>> -> memref<128xi32, #tpu.memory_space<vmem>>
    %dma_start3A_199 = arith.constant 0 : i32
    %dma_start3A_200 = arith.constant 0 : i32
    %dma_start3A_201 = tpu.memref_slice %arg3[%dma_start3A_199, %dma_start3A_200] : memref<1000000x32xf32, #tpu.memory_space<hbm>> -> memref<1000000x32xf32, #tpu.memory_space<hbm>>
    tpu.enqueue_indirect_dma source(%dma_start3A_201 : memref<1000000x32xf32, #tpu.memory_space<hbm>>) target(%dma_start3A_195 : memref<128x32xf32, #tpu.memory_space<vmem>>) offsets(%dma_start3A_198 : memref<128xi32, #tpu.memory_space<vmem>>) semaphore(%arg9 : memref<!tpu.dma_semaphore, #tpu.memory_space<semaphore_mem>>)
    %dma_start3A_202 = arith.constant 20 : i32
    %dma_start3A_203 = arith.constant 896 : i32
    %dma_start3A_204 = arith.constant 0 : i32
    %dma_start3A_205 = tpu.memref_slice %arg7[%dma_start3A_203, %dma_start3A_204] : memref<1664x32xf32, #tpu.memory_space<vmem>> -> memref<128x32xf32, #tpu.memory_space<vmem>>
    %dma_start3A_206 = arith.constant 0 : i32
    %dma_start3A_207 = tpu.memref_slice %arg5[%dma_start3A_202, %dma_start3A_206] : memref<104x128xi32, #tpu.memory_space<vmem>> -> memref<1x128xi32, #tpu.memory_space<vmem>>
    %dma_start3A_208 = tpu.memref_squeeze %dma_start3A_207 : memref<1x128xi32, #tpu.memory_space<vmem>> -> memref<128xi32, #tpu.memory_space<vmem>>
    %dma_start3A_209 = arith.constant 0 : i32
    %dma_start3A_210 = arith.constant 0 : i32
    %dma_start3A_211 = tpu.memref_slice %arg3[%dma_start3A_209, %dma_start3A_210] : memref<1000000x32xf32, #tpu.memory_space<hbm>> -> memref<1000000x32xf32, #tpu.memory_space<hbm>>
    tpu.enqueue_indirect_dma source(%dma_start3A_211 : memref<1000000x32xf32, #tpu.memory_space<hbm>>) target(%dma_start3A_205 : memref<128x32xf32, #tpu.memory_space<vmem>>) offsets(%dma_start3A_208 : memref<128xi32, #tpu.memory_space<vmem>>) semaphore(%arg9 : memref<!tpu.dma_semaphore, #tpu.memory_space<semaphore_mem>>)
    %dma_start3A_212 = arith.constant 21 : i32
    %dma_start3A_213 = arith.constant 1024 : i32
    %dma_start3A_214 = arith.constant 0 : i32
    %dma_start3A_215 = tpu.memref_slice %arg7[%dma_start3A_213, %dma_start3A_214] : memref<1664x32xf32, #tpu.memory_space<vmem>> -> memref<128x32xf32, #tpu.memory_space<vmem>>
    %dma_start3A_216 = arith.constant 0 : i32
    %dma_start3A_217 = tpu.memref_slice %arg5[%dma_start3A_212, %dma_start3A_216] : memref<104x128xi32, #tpu.memory_space<vmem>> -> memref<1x128xi32, #tpu.memory_space<vmem>>
    %dma_start3A_218 = tpu.memref_squeeze %dma_start3A_217 : memref<1x128xi32, #tpu.memory_space<vmem>> -> memref<128xi32, #tpu.memory_space<vmem>>
    %dma_start3A_219 = arith.constant 0 : i32
    %dma_start3A_220 = arith.constant 0 : i32
    %dma_start3A_221 = tpu.memref_slice %arg3[%dma_start3A_219, %dma_start3A_220] : memref<1000000x32xf32, #tpu.memory_space<hbm>> -> memref<1000000x32xf32, #tpu.memory_space<hbm>>
    tpu.enqueue_indirect_dma source(%dma_start3A_221 : memref<1000000x32xf32, #tpu.memory_space<hbm>>) target(%dma_start3A_215 : memref<128x32xf32, #tpu.memory_space<vmem>>) offsets(%dma_start3A_218 : memref<128xi32, #tpu.memory_space<vmem>>) semaphore(%arg9 : memref<!tpu.dma_semaphore, #tpu.memory_space<semaphore_mem>>)
    %dma_start3A_222 = arith.constant 22 : i32
    %dma_start3A_223 = arith.constant 1152 : i32
    %dma_start3A_224 = arith.constant 0 : i32
    %dma_start3A_225 = tpu.memref_slice %arg7[%dma_start3A_223, %dma_start3A_224] : memref<1664x32xf32, #tpu.memory_space<vmem>> -> memref<128x32xf32, #tpu.memory_space<vmem>>
    %dma_start3A_226 = arith.constant 0 : i32
    %dma_start3A_227 = tpu.memref_slice %arg5[%dma_start3A_222, %dma_start3A_226] : memref<104x128xi32, #tpu.memory_space<vmem>> -> memref<1x128xi32, #tpu.memory_space<vmem>>
    %dma_start3A_228 = tpu.memref_squeeze %dma_start3A_227 : memref<1x128xi32, #tpu.memory_space<vmem>> -> memref<128xi32, #tpu.memory_space<vmem>>
    %dma_start3A_229 = arith.constant 0 : i32
    %dma_start3A_230 = arith.constant 0 : i32
    %dma_start3A_231 = tpu.memref_slice %arg3[%dma_start3A_229, %dma_start3A_230] : memref<1000000x32xf32, #tpu.memory_space<hbm>> -> memref<1000000x32xf32, #tpu.memory_space<hbm>>
    tpu.enqueue_indirect_dma source(%dma_start3A_231 : memref<1000000x32xf32, #tpu.memory_space<hbm>>) target(%dma_start3A_225 : memref<128x32xf32, #tpu.memory_space<vmem>>) offsets(%dma_start3A_228 : memref<128xi32, #tpu.memory_space<vmem>>) semaphore(%arg9 : memref<!tpu.dma_semaphore, #tpu.memory_space<semaphore_mem>>)
    %dma_start3A_232 = arith.constant 23 : i32
    %dma_start3A_233 = arith.constant 1280 : i32
    %dma_start3A_234 = arith.constant 0 : i32
    %dma_start3A_235 = tpu.memref_slice %arg7[%dma_start3A_233, %dma_start3A_234] : memref<1664x32xf32, #tpu.memory_space<vmem>> -> memref<128x32xf32, #tpu.memory_space<vmem>>
    %dma_start3A_236 = arith.constant 0 : i32
    %dma_start3A_237 = tpu.memref_slice %arg5[%dma_start3A_232, %dma_start3A_236] : memref<104x128xi32, #tpu.memory_space<vmem>> -> memref<1x128xi32, #tpu.memory_space<vmem>>
    %dma_start3A_238 = tpu.memref_squeeze %dma_start3A_237 : memref<1x128xi32, #tpu.memory_space<vmem>> -> memref<128xi32, #tpu.memory_space<vmem>>
    %dma_start3A_239 = arith.constant 0 : i32
    %dma_start3A_240 = arith.constant 0 : i32
    %dma_start3A_241 = tpu.memref_slice %arg3[%dma_start3A_239, %dma_start3A_240] : memref<1000000x32xf32, #tpu.memory_space<hbm>> -> memref<1000000x32xf32, #tpu.memory_space<hbm>>
    tpu.enqueue_indirect_dma source(%dma_start3A_241 : memref<1000000x32xf32, #tpu.memory_space<hbm>>) target(%dma_start3A_235 : memref<128x32xf32, #tpu.memory_space<vmem>>) offsets(%dma_start3A_238 : memref<128xi32, #tpu.memory_space<vmem>>) semaphore(%arg9 : memref<!tpu.dma_semaphore, #tpu.memory_space<semaphore_mem>>)
    %dma_start3A_242 = arith.constant 24 : i32
    %dma_start3A_243 = arith.constant 1408 : i32
    %dma_start3A_244 = arith.constant 0 : i32
    %dma_start3A_245 = tpu.memref_slice %arg7[%dma_start3A_243, %dma_start3A_244] : memref<1664x32xf32, #tpu.memory_space<vmem>> -> memref<128x32xf32, #tpu.memory_space<vmem>>
    %dma_start3A_246 = arith.constant 0 : i32
    %dma_start3A_247 = tpu.memref_slice %arg5[%dma_start3A_242, %dma_start3A_246] : memref<104x128xi32, #tpu.memory_space<vmem>> -> memref<1x128xi32, #tpu.memory_space<vmem>>
    %dma_start3A_248 = tpu.memref_squeeze %dma_start3A_247 : memref<1x128xi32, #tpu.memory_space<vmem>> -> memref<128xi32, #tpu.memory_space<vmem>>
    %dma_start3A_249 = arith.constant 0 : i32
    %dma_start3A_250 = arith.constant 0 : i32
    %dma_start3A_251 = tpu.memref_slice %arg3[%dma_start3A_249, %dma_start3A_250] : memref<1000000x32xf32, #tpu.memory_space<hbm>> -> memref<1000000x32xf32, #tpu.memory_space<hbm>>
    tpu.enqueue_indirect_dma source(%dma_start3A_251 : memref<1000000x32xf32, #tpu.memory_space<hbm>>) target(%dma_start3A_245 : memref<128x32xf32, #tpu.memory_space<vmem>>) offsets(%dma_start3A_248 : memref<128xi32, #tpu.memory_space<vmem>>) semaphore(%arg9 : memref<!tpu.dma_semaphore, #tpu.memory_space<semaphore_mem>>)
    %dma_start3A_252 = arith.constant 25 : i32
    %dma_start3A_253 = arith.constant 1536 : i32
    %dma_start3A_254 = arith.constant 0 : i32
    %dma_start3A_255 = tpu.memref_slice %arg7[%dma_start3A_253, %dma_start3A_254] : memref<1664x32xf32, #tpu.memory_space<vmem>> -> memref<128x32xf32, #tpu.memory_space<vmem>>
    %dma_start3A_256 = arith.constant 0 : i32
    %dma_start3A_257 = tpu.memref_slice %arg5[%dma_start3A_252, %dma_start3A_256] : memref<104x128xi32, #tpu.memory_space<vmem>> -> memref<1x128xi32, #tpu.memory_space<vmem>>
    %dma_start3A_258 = tpu.memref_squeeze %dma_start3A_257 : memref<1x128xi32, #tpu.memory_space<vmem>> -> memref<128xi32, #tpu.memory_space<vmem>>
    %dma_start3A_259 = arith.constant 0 : i32
    %dma_start3A_260 = arith.constant 0 : i32
    %dma_start3A_261 = tpu.memref_slice %arg3[%dma_start3A_259, %dma_start3A_260] : memref<1000000x32xf32, #tpu.memory_space<hbm>> -> memref<1000000x32xf32, #tpu.memory_space<hbm>>
    tpu.enqueue_indirect_dma source(%dma_start3A_261 : memref<1000000x32xf32, #tpu.memory_space<hbm>>) target(%dma_start3A_255 : memref<128x32xf32, #tpu.memory_space<vmem>>) offsets(%dma_start3A_258 : memref<128xi32, #tpu.memory_space<vmem>>) semaphore(%arg9 : memref<!tpu.dma_semaphore, #tpu.memory_space<semaphore_mem>>)
    %scan3A = arith.constant 0 : i32
    %scan3A_262 = arith.constant 0 : i32
    %scan3A_263 = arith.constant 3 : i32
    %scan3A_264 = arith.addi %scan3A_262, %scan3A_263 : i32
    %scan3A_265 = arith.constant 1 : i32
    scf.for %scan3A_310 = %scan3A_262 to %scan3A_264 step %scan3A_265  : i32 {
      %mul3A_311 = arith.constant 2 : i32
      %mul3A_312 = arith.muli %mul3A_311, %scan3A_310 : i32
      %dma_wait3A_313 = arith.constant 0 : i32
      %dma_wait3A_314 = arith.constant 0 : i32
      %dma_wait3A_315 = tpu.memref_slice %arg3[%dma_wait3A_313, %dma_wait3A_314] : memref<1000000x32xf32, #tpu.memory_space<hbm>> -> memref<1664x32xf32, #tpu.memory_space<hbm>>
      %dma_wait3A_316 = arith.constant 0 : i32
      %dma_wait3A_317 = arith.constant 0 : i32
      %dma_wait3A_318 = tpu.memref_slice %arg3[%dma_wait3A_316, %dma_wait3A_317] : memref<1000000x32xf32, #tpu.memory_space<hbm>> -> memref<1664x32xf32, #tpu.memory_space<hbm>>
      tpu.wait_dma2 semaphore(%arg8 : memref<!tpu.dma_semaphore, #tpu.memory_space<semaphore_mem>>) src(%dma_wait3A_318 : memref<1664x32xf32, #tpu.memory_space<hbm>>) dst(%arg6 : memref<1664x32xf32, #tpu.memory_space<vmem>>)
      %mul3A_319 = arith.constant 13 : i32
      %mul3A_320 = arith.muli %mul3A_312, %mul3A_319 : i32
      %add3A_321 = arith.addi %mul3A_2, %mul3A_320 : i32
      %mul3A_322 = arith.constant 128 : i32
      %mul3A_323 = arith.muli %add3A_321, %mul3A_322 : i32
      %dma_start3A_324 = arith.constant 0 : i32
      %dma_start3A_325 = tpu.memref_slice %arg4[%mul3A_323, %dma_start3A_324] : memref<425984x32xf32, #tpu.memory_space<hbm>> -> memref<1664x32xf32, #tpu.memory_space<hbm>>
      %dma_start3A_326 = arith.constant 0 : i32
      %dma_start3A_327 = tpu.memref_slice %arg4[%mul3A_323, %dma_start3A_326] : memref<425984x32xf32, #tpu.memory_space<hbm>> -> memref<1664x32xf32, #tpu.memory_space<hbm>>
      tpu.enqueue_dma source(%arg6 : memref<1664x32xf32, #tpu.memory_space<vmem>>) target(%dma_start3A_327 : memref<1664x32xf32, #tpu.memory_space<hbm>>) target_semaphore(%arg10 : memref<!tpu.dma_semaphore, #tpu.memory_space<semaphore_mem>>)
      %dma_wait3A_328 = arith.constant 0 : i32
      %dma_wait3A_329 = arith.constant 0 : i32
      %dma_wait3A_330 = tpu.memref_slice %arg3[%dma_wait3A_328, %dma_wait3A_329] : memref<1000000x32xf32, #tpu.memory_space<hbm>> -> memref<1664x32xf32, #tpu.memory_space<hbm>>
      %dma_wait3A_331 = arith.constant 0 : i32
      %dma_wait3A_332 = arith.constant 0 : i32
      %dma_wait3A_333 = tpu.memref_slice %arg3[%dma_wait3A_331, %dma_wait3A_332] : memref<1000000x32xf32, #tpu.memory_space<hbm>> -> memref<1664x32xf32, #tpu.memory_space<hbm>>
      tpu.wait_dma2 semaphore(%arg9 : memref<!tpu.dma_semaphore, #tpu.memory_space<semaphore_mem>>) src(%dma_wait3A_333 : memref<1664x32xf32, #tpu.memory_space<hbm>>) dst(%arg7 : memref<1664x32xf32, #tpu.memory_space<vmem>>)
      %add3A_334 = arith.constant 1 : i32
      %add3A_335 = arith.addi %mul3A_312, %add3A_334 : i32
      %mul3A_336 = arith.constant 13 : i32
      %mul3A_337 = arith.muli %add3A_335, %mul3A_336 : i32
      %add3A_338 = arith.addi %mul3A_2, %mul3A_337 : i32
      %mul3A_339 = arith.constant 128 : i32
      %mul3A_340 = arith.muli %add3A_338, %mul3A_339 : i32
      %dma_start3A_341 = arith.constant 0 : i32
      %dma_start3A_342 = tpu.memref_slice %arg4[%mul3A_340, %dma_start3A_341] : memref<425984x32xf32, #tpu.memory_space<hbm>> -> memref<1664x32xf32, #tpu.memory_space<hbm>>
      %dma_start3A_343 = arith.constant 0 : i32
      %dma_start3A_344 = tpu.memref_slice %arg4[%mul3A_340, %dma_start3A_343] : memref<425984x32xf32, #tpu.memory_space<hbm>> -> memref<1664x32xf32, #tpu.memory_space<hbm>>
      tpu.enqueue_dma source(%arg7 : memref<1664x32xf32, #tpu.memory_space<vmem>>) target(%dma_start3A_344 : memref<1664x32xf32, #tpu.memory_space<hbm>>) target_semaphore(%arg11 : memref<!tpu.dma_semaphore, #tpu.memory_space<semaphore_mem>>)
      %mul3A_345 = arith.constant 13 : i32
      %mul3A_346 = arith.muli %mul3A_312, %mul3A_345 : i32
      %add3A_347 = arith.addi %mul3A_2, %mul3A_346 : i32
      %mul3A_348 = arith.constant 128 : i32
      %mul3A_349 = arith.muli %add3A_347, %mul3A_348 : i32
      %dma_wait3A_350 = arith.constant 0 : i32
      %dma_wait3A_351 = tpu.memref_slice %arg4[%mul3A_349, %dma_wait3A_350] : memref<425984x32xf32, #tpu.memory_space<hbm>> -> memref<1664x32xf32, #tpu.memory_space<hbm>>
      %dma_wait3A_352 = arith.constant 0 : i32
      %dma_wait3A_353 = tpu.memref_slice %arg4[%mul3A_349, %dma_wait3A_352] : memref<425984x32xf32, #tpu.memory_space<hbm>> -> memref<1664x32xf32, #tpu.memory_space<hbm>>
      tpu.wait_dma2 semaphore(%arg10 : memref<!tpu.dma_semaphore, #tpu.memory_space<semaphore_mem>>) src(%arg6 : memref<1664x32xf32, #tpu.memory_space<vmem>>) dst(%dma_wait3A_353 : memref<1664x32xf32, #tpu.memory_space<hbm>>)
      %add3A_354 = arith.constant 2 : i32
      %add3A_355 = arith.addi %mul3A_312, %add3A_354 : i32
      %mul3A_356 = arith.constant 13 : i32
      %mul3A_357 = arith.muli %add3A_355, %mul3A_356 : i32
      %add3A_358 = arith.constant 0 : i32
      %add3A_359 = arith.addi %mul3A_357, %add3A_358 : i32
      %dma_start3A_360 = arith.constant 0 : i32
      %dma_start3A_361 = arith.constant 0 : i32
      %dma_start3A_362 = tpu.memref_slice %arg6[%dma_start3A_360, %dma_start3A_361] : memref<1664x32xf32, #tpu.memory_space<vmem>> -> memref<128x32xf32, #tpu.memory_space<vmem>>
      %dma_start3A_363 = arith.constant 0 : i32
      %dma_start3A_364 = tpu.memref_slice %arg5[%add3A_359, %dma_start3A_363] : memref<104x128xi32, #tpu.memory_space<vmem>> -> memref<1x128xi32, #tpu.memory_space<vmem>>
      %dma_start3A_365 = tpu.memref_squeeze %dma_start3A_364 : memref<1x128xi32, #tpu.memory_space<vmem>> -> memref<128xi32, #tpu.memory_space<vmem>>
      %dma_start3A_366 = arith.constant 0 : i32
      %dma_start3A_367 = arith.constant 0 : i32
      %dma_start3A_368 = tpu.memref_slice %arg3[%dma_start3A_366, %dma_start3A_367] : memref<1000000x32xf32, #tpu.memory_space<hbm>> -> memref<1000000x32xf32, #tpu.memory_space<hbm>>
      tpu.enqueue_indirect_dma source(%dma_start3A_368 : memref<1000000x32xf32, #tpu.memory_space<hbm>>) target(%dma_start3A_362 : memref<128x32xf32, #tpu.memory_space<vmem>>) offsets(%dma_start3A_365 : memref<128xi32, #tpu.memory_space<vmem>>) semaphore(%arg8 : memref<!tpu.dma_semaphore, #tpu.memory_space<semaphore_mem>>)
      %mul3A_369 = arith.constant 13 : i32
      %mul3A_370 = arith.muli %add3A_355, %mul3A_369 : i32
      %add3A_371 = arith.constant 1 : i32
      %add3A_372 = arith.addi %mul3A_370, %add3A_371 : i32
      %dma_start3A_373 = arith.constant 128 : i32
      %dma_start3A_374 = arith.constant 0 : i32
      %dma_start3A_375 = tpu.memref_slice %arg6[%dma_start3A_373, %dma_start3A_374] : memref<1664x32xf32, #tpu.memory_space<vmem>> -> memref<128x32xf32, #tpu.memory_space<vmem>>
      %dma_start3A_376 = arith.constant 0 : i32
      %dma_start3A_377 = tpu.memref_slice %arg5[%add3A_372, %dma_start3A_376] : memref<104x128xi32, #tpu.memory_space<vmem>> -> memref<1x128xi32, #tpu.memory_space<vmem>>
      %dma_start3A_378 = tpu.memref_squeeze %dma_start3A_377 : memref<1x128xi32, #tpu.memory_space<vmem>> -> memref<128xi32, #tpu.memory_space<vmem>>
      %dma_start3A_379 = arith.constant 0 : i32
      %dma_start3A_380 = arith.constant 0 : i32
      %dma_start3A_381 = tpu.memref_slice %arg3[%dma_start3A_379, %dma_start3A_380] : memref<1000000x32xf32, #tpu.memory_space<hbm>> -> memref<1000000x32xf32, #tpu.memory_space<hbm>>
      tpu.enqueue_indirect_dma source(%dma_start3A_381 : memref<1000000x32xf32, #tpu.memory_space<hbm>>) target(%dma_start3A_375 : memref<128x32xf32, #tpu.memory_space<vmem>>) offsets(%dma_start3A_378 : memref<128xi32, #tpu.memory_space<vmem>>) semaphore(%arg8 : memref<!tpu.dma_semaphore, #tpu.memory_space<semaphore_mem>>)
      %mul3A_382 = arith.constant 13 : i32
      %mul3A_383 = arith.muli %add3A_355, %mul3A_382 : i32
      %add3A_384 = arith.constant 2 : i32
      %add3A_385 = arith.addi %mul3A_383, %add3A_384 : i32
      %dma_start3A_386 = arith.constant 256 : i32
      %dma_start3A_387 = arith.constant 0 : i32
      %dma_start3A_388 = tpu.memref_slice %arg6[%dma_start3A_386, %dma_start3A_387] : memref<1664x32xf32, #tpu.memory_space<vmem>> -> memref<128x32xf32, #tpu.memory_space<vmem>>
      %dma_start3A_389 = arith.constant 0 : i32
      %dma_start3A_390 = tpu.memref_slice %arg5[%add3A_385, %dma_start3A_389] : memref<104x128xi32, #tpu.memory_space<vmem>> -> memref<1x128xi32, #tpu.memory_space<vmem>>
      %dma_start3A_391 = tpu.memref_squeeze %dma_start3A_390 : memref<1x128xi32, #tpu.memory_space<vmem>> -> memref<128xi32, #tpu.memory_space<vmem>>
      %dma_start3A_392 = arith.constant 0 : i32
      %dma_start3A_393 = arith.constant 0 : i32
      %dma_start3A_394 = tpu.memref_slice %arg3[%dma_start3A_392, %dma_start3A_393] : memref<1000000x32xf32, #tpu.memory_space<hbm>> -> memref<1000000x32xf32, #tpu.memory_space<hbm>>
      tpu.enqueue_indirect_dma source(%dma_start3A_394 : memref<1000000x32xf32, #tpu.memory_space<hbm>>) target(%dma_start3A_388 : memref<128x32xf32, #tpu.memory_space<vmem>>) offsets(%dma_start3A_391 : memref<128xi32, #tpu.memory_space<vmem>>) semaphore(%arg8 : memref<!tpu.dma_semaphore, #tpu.memory_space<semaphore_mem>>)
      %mul3A_395 = arith.constant 13 : i32
      %mul3A_396 = arith.muli %add3A_355, %mul3A_395 : i32
      %add3A_397 = arith.constant 3 : i32
      %add3A_398 = arith.addi %mul3A_396, %add3A_397 : i32
      %dma_start3A_399 = arith.constant 384 : i32
      %dma_start3A_400 = arith.constant 0 : i32
      %dma_start3A_401 = tpu.memref_slice %arg6[%dma_start3A_399, %dma_start3A_400] : memref<1664x32xf32, #tpu.memory_space<vmem>> -> memref<128x32xf32, #tpu.memory_space<vmem>>
      %dma_start3A_402 = arith.constant 0 : i32
      %dma_start3A_403 = tpu.memref_slice %arg5[%add3A_398, %dma_start3A_402] : memref<104x128xi32, #tpu.memory_space<vmem>> -> memref<1x128xi32, #tpu.memory_space<vmem>>
      %dma_start3A_404 = tpu.memref_squeeze %dma_start3A_403 : memref<1x128xi32, #tpu.memory_space<vmem>> -> memref<128xi32, #tpu.memory_space<vmem>>
      %dma_start3A_405 = arith.constant 0 : i32
      %dma_start3A_406 = arith.constant 0 : i32
      %dma_start3A_407 = tpu.memref_slice %arg3[%dma_start3A_405, %dma_start3A_406] : memref<1000000x32xf32, #tpu.memory_space<hbm>> -> memref<1000000x32xf32, #tpu.memory_space<hbm>>
      tpu.enqueue_indirect_dma source(%dma_start3A_407 : memref<1000000x32xf32, #tpu.memory_space<hbm>>) target(%dma_start3A_401 : memref<128x32xf32, #tpu.memory_space<vmem>>) offsets(%dma_start3A_404 : memref<128xi32, #tpu.memory_space<vmem>>) semaphore(%arg8 : memref<!tpu.dma_semaphore, #tpu.memory_space<semaphore_mem>>)
      %mul3A_408 = arith.constant 13 : i32
      %mul3A_409 = arith.muli %add3A_355, %mul3A_408 : i32
      %add3A_410 = arith.constant 4 : i32
      %add3A_411 = arith.addi %mul3A_409, %add3A_410 : i32
      %dma_start3A_412 = arith.constant 512 : i32
      %dma_start3A_413 = arith.constant 0 : i32
      %dma_start3A_414 = tpu.memref_slice %arg6[%dma_start3A_412, %dma_start3A_413] : memref<1664x32xf32, #tpu.memory_space<vmem>> -> memref<128x32xf32, #tpu.memory_space<vmem>>
      %dma_start3A_415 = arith.constant 0 : i32
      %dma_start3A_416 = tpu.memref_slice %arg5[%add3A_411, %dma_start3A_415] : memref<104x128xi32, #tpu.memory_space<vmem>> -> memref<1x128xi32, #tpu.memory_space<vmem>>
      %dma_start3A_417 = tpu.memref_squeeze %dma_start3A_416 : memref<1x128xi32, #tpu.memory_space<vmem>> -> memref<128xi32, #tpu.memory_space<vmem>>
      %dma_start3A_418 = arith.constant 0 : i32
      %dma_start3A_419 = arith.constant 0 : i32
      %dma_start3A_420 = tpu.memref_slice %arg3[%dma_start3A_418, %dma_start3A_419] : memref<1000000x32xf32, #tpu.memory_space<hbm>> -> memref<1000000x32xf32, #tpu.memory_space<hbm>>
      tpu.enqueue_indirect_dma source(%dma_start3A_420 : memref<1000000x32xf32, #tpu.memory_space<hbm>>) target(%dma_start3A_414 : memref<128x32xf32, #tpu.memory_space<vmem>>) offsets(%dma_start3A_417 : memref<128xi32, #tpu.memory_space<vmem>>) semaphore(%arg8 : memref<!tpu.dma_semaphore, #tpu.memory_space<semaphore_mem>>)
      %mul3A_421 = arith.constant 13 : i32
      %mul3A_422 = arith.muli %add3A_355, %mul3A_421 : i32
      %add3A_423 = arith.constant 5 : i32
      %add3A_424 = arith.addi %mul3A_422, %add3A_423 : i32
      %dma_start3A_425 = arith.constant 640 : i32
      %dma_start3A_426 = arith.constant 0 : i32
      %dma_start3A_427 = tpu.memref_slice %arg6[%dma_start3A_425, %dma_start3A_426] : memref<1664x32xf32, #tpu.memory_space<vmem>> -> memref<128x32xf32, #tpu.memory_space<vmem>>
      %dma_start3A_428 = arith.constant 0 : i32
      %dma_start3A_429 = tpu.memref_slice %arg5[%add3A_424, %dma_start3A_428] : memref<104x128xi32, #tpu.memory_space<vmem>> -> memref<1x128xi32, #tpu.memory_space<vmem>>
      %dma_start3A_430 = tpu.memref_squeeze %dma_start3A_429 : memref<1x128xi32, #tpu.memory_space<vmem>> -> memref<128xi32, #tpu.memory_space<vmem>>
      %dma_start3A_431 = arith.constant 0 : i32
      %dma_start3A_432 = arith.constant 0 : i32
      %dma_start3A_433 = tpu.memref_slice %arg3[%dma_start3A_431, %dma_start3A_432] : memref<1000000x32xf32, #tpu.memory_space<hbm>> -> memref<1000000x32xf32, #tpu.memory_space<hbm>>
      tpu.enqueue_indirect_dma source(%dma_start3A_433 : memref<1000000x32xf32, #tpu.memory_space<hbm>>) target(%dma_start3A_427 : memref<128x32xf32, #tpu.memory_space<vmem>>) offsets(%dma_start3A_430 : memref<128xi32, #tpu.memory_space<vmem>>) semaphore(%arg8 : memref<!tpu.dma_semaphore, #tpu.memory_space<semaphore_mem>>)
      %mul3A_434 = arith.constant 13 : i32
      %mul3A_435 = arith.muli %add3A_355, %mul3A_434 : i32
      %add3A_436 = arith.constant 6 : i32
      %add3A_437 = arith.addi %mul3A_435, %add3A_436 : i32
      %dma_start3A_438 = arith.constant 768 : i32
      %dma_start3A_439 = arith.constant 0 : i32
      %dma_start3A_440 = tpu.memref_slice %arg6[%dma_start3A_438, %dma_start3A_439] : memref<1664x32xf32, #tpu.memory_space<vmem>> -> memref<128x32xf32, #tpu.memory_space<vmem>>
      %dma_start3A_441 = arith.constant 0 : i32
      %dma_start3A_442 = tpu.memref_slice %arg5[%add3A_437, %dma_start3A_441] : memref<104x128xi32, #tpu.memory_space<vmem>> -> memref<1x128xi32, #tpu.memory_space<vmem>>
      %dma_start3A_443 = tpu.memref_squeeze %dma_start3A_442 : memref<1x128xi32, #tpu.memory_space<vmem>> -> memref<128xi32, #tpu.memory_space<vmem>>
      %dma_start3A_444 = arith.constant 0 : i32
      %dma_start3A_445 = arith.constant 0 : i32
      %dma_start3A_446 = tpu.memref_slice %arg3[%dma_start3A_444, %dma_start3A_445] : memref<1000000x32xf32, #tpu.memory_space<hbm>> -> memref<1000000x32xf32, #tpu.memory_space<hbm>>
      tpu.enqueue_indirect_dma source(%dma_start3A_446 : memref<1000000x32xf32, #tpu.memory_space<hbm>>) target(%dma_start3A_440 : memref<128x32xf32, #tpu.memory_space<vmem>>) offsets(%dma_start3A_443 : memref<128xi32, #tpu.memory_space<vmem>>) semaphore(%arg8 : memref<!tpu.dma_semaphore, #tpu.memory_space<semaphore_mem>>)
      %mul3A_447 = arith.constant 13 : i32
      %mul3A_448 = arith.muli %add3A_355, %mul3A_447 : i32
      %add3A_449 = arith.constant 7 : i32
      %add3A_450 = arith.addi %mul3A_448, %add3A_449 : i32
      %dma_start3A_451 = arith.constant 896 : i32
      %dma_start3A_452 = arith.constant 0 : i32
      %dma_start3A_453 = tpu.memref_slice %arg6[%dma_start3A_451, %dma_start3A_452] : memref<1664x32xf32, #tpu.memory_space<vmem>> -> memref<128x32xf32, #tpu.memory_space<vmem>>
      %dma_start3A_454 = arith.constant 0 : i32
      %dma_start3A_455 = tpu.memref_slice %arg5[%add3A_450, %dma_start3A_454] : memref<104x128xi32, #tpu.memory_space<vmem>> -> memref<1x128xi32, #tpu.memory_space<vmem>>
      %dma_start3A_456 = tpu.memref_squeeze %dma_start3A_455 : memref<1x128xi32, #tpu.memory_space<vmem>> -> memref<128xi32, #tpu.memory_space<vmem>>
      %dma_start3A_457 = arith.constant 0 : i32
      %dma_start3A_458 = arith.constant 0 : i32
      %dma_start3A_459 = tpu.memref_slice %arg3[%dma_start3A_457, %dma_start3A_458] : memref<1000000x32xf32, #tpu.memory_space<hbm>> -> memref<1000000x32xf32, #tpu.memory_space<hbm>>
      tpu.enqueue_indirect_dma source(%dma_start3A_459 : memref<1000000x32xf32, #tpu.memory_space<hbm>>) target(%dma_start3A_453 : memref<128x32xf32, #tpu.memory_space<vmem>>) offsets(%dma_start3A_456 : memref<128xi32, #tpu.memory_space<vmem>>) semaphore(%arg8 : memref<!tpu.dma_semaphore, #tpu.memory_space<semaphore_mem>>)
      %mul3A_460 = arith.constant 13 : i32
      %mul3A_461 = arith.muli %add3A_355, %mul3A_460 : i32
      %add3A_462 = arith.constant 8 : i32
      %add3A_463 = arith.addi %mul3A_461, %add3A_462 : i32
      %dma_start3A_464 = arith.constant 1024 : i32
      %dma_start3A_465 = arith.constant 0 : i32
      %dma_start3A_466 = tpu.memref_slice %arg6[%dma_start3A_464, %dma_start3A_465] : memref<1664x32xf32, #tpu.memory_space<vmem>> -> memref<128x32xf32, #tpu.memory_space<vmem>>
      %dma_start3A_467 = arith.constant 0 : i32
      %dma_start3A_468 = tpu.memref_slice %arg5[%add3A_463, %dma_start3A_467] : memref<104x128xi32, #tpu.memory_space<vmem>> -> memref<1x128xi32, #tpu.memory_space<vmem>>
      %dma_start3A_469 = tpu.memref_squeeze %dma_start3A_468 : memref<1x128xi32, #tpu.memory_space<vmem>> -> memref<128xi32, #tpu.memory_space<vmem>>
      %dma_start3A_470 = arith.constant 0 : i32
      %dma_start3A_471 = arith.constant 0 : i32
      %dma_start3A_472 = tpu.memref_slice %arg3[%dma_start3A_470, %dma_start3A_471] : memref<1000000x32xf32, #tpu.memory_space<hbm>> -> memref<1000000x32xf32, #tpu.memory_space<hbm>>
      tpu.enqueue_indirect_dma source(%dma_start3A_472 : memref<1000000x32xf32, #tpu.memory_space<hbm>>) target(%dma_start3A_466 : memref<128x32xf32, #tpu.memory_space<vmem>>) offsets(%dma_start3A_469 : memref<128xi32, #tpu.memory_space<vmem>>) semaphore(%arg8 : memref<!tpu.dma_semaphore, #tpu.memory_space<semaphore_mem>>)
      %mul3A_473 = arith.constant 13 : i32
      %mul3A_474 = arith.muli %add3A_355, %mul3A_473 : i32
      %add3A_475 = arith.constant 9 : i32
      %add3A_476 = arith.addi %mul3A_474, %add3A_475 : i32
      %dma_start3A_477 = arith.constant 1152 : i32
      %dma_start3A_478 = arith.constant 0 : i32
      %dma_start3A_479 = tpu.memref_slice %arg6[%dma_start3A_477, %dma_start3A_478] : memref<1664x32xf32, #tpu.memory_space<vmem>> -> memref<128x32xf32, #tpu.memory_space<vmem>>
      %dma_start3A_480 = arith.constant 0 : i32
      %dma_start3A_481 = tpu.memref_slice %arg5[%add3A_476, %dma_start3A_480] : memref<104x128xi32, #tpu.memory_space<vmem>> -> memref<1x128xi32, #tpu.memory_space<vmem>>
      %dma_start3A_482 = tpu.memref_squeeze %dma_start3A_481 : memref<1x128xi32, #tpu.memory_space<vmem>> -> memref<128xi32, #tpu.memory_space<vmem>>
      %dma_start3A_483 = arith.constant 0 : i32
      %dma_start3A_484 = arith.constant 0 : i32
      %dma_start3A_485 = tpu.memref_slice %arg3[%dma_start3A_483, %dma_start3A_484] : memref<1000000x32xf32, #tpu.memory_space<hbm>> -> memref<1000000x32xf32, #tpu.memory_space<hbm>>
      tpu.enqueue_indirect_dma source(%dma_start3A_485 : memref<1000000x32xf32, #tpu.memory_space<hbm>>) target(%dma_start3A_479 : memref<128x32xf32, #tpu.memory_space<vmem>>) offsets(%dma_start3A_482 : memref<128xi32, #tpu.memory_space<vmem>>) semaphore(%arg8 : memref<!tpu.dma_semaphore, #tpu.memory_space<semaphore_mem>>)
      %mul3A_486 = arith.constant 13 : i32
      %mul3A_487 = arith.muli %add3A_355, %mul3A_486 : i32
      %add3A_488 = arith.constant 10 : i32
      %add3A_489 = arith.addi %mul3A_487, %add3A_488 : i32
      %dma_start3A_490 = arith.constant 1280 : i32
      %dma_start3A_491 = arith.constant 0 : i32
      %dma_start3A_492 = tpu.memref_slice %arg6[%dma_start3A_490, %dma_start3A_491] : memref<1664x32xf32, #tpu.memory_space<vmem>> -> memref<128x32xf32, #tpu.memory_space<vmem>>
      %dma_start3A_493 = arith.constant 0 : i32
      %dma_start3A_494 = tpu.memref_slice %arg5[%add3A_489, %dma_start3A_493] : memref<104x128xi32, #tpu.memory_space<vmem>> -> memref<1x128xi32, #tpu.memory_space<vmem>>
      %dma_start3A_495 = tpu.memref_squeeze %dma_start3A_494 : memref<1x128xi32, #tpu.memory_space<vmem>> -> memref<128xi32, #tpu.memory_space<vmem>>
      %dma_start3A_496 = arith.constant 0 : i32
      %dma_start3A_497 = arith.constant 0 : i32
      %dma_start3A_498 = tpu.memref_slice %arg3[%dma_start3A_496, %dma_start3A_497] : memref<1000000x32xf32, #tpu.memory_space<hbm>> -> memref<1000000x32xf32, #tpu.memory_space<hbm>>
      tpu.enqueue_indirect_dma source(%dma_start3A_498 : memref<1000000x32xf32, #tpu.memory_space<hbm>>) target(%dma_start3A_492 : memref<128x32xf32, #tpu.memory_space<vmem>>) offsets(%dma_start3A_495 : memref<128xi32, #tpu.memory_space<vmem>>) semaphore(%arg8 : memref<!tpu.dma_semaphore, #tpu.memory_space<semaphore_mem>>)
      %mul3A_499 = arith.constant 13 : i32
      %mul3A_500 = arith.muli %add3A_355, %mul3A_499 : i32
      %add3A_501 = arith.constant 11 : i32
      %add3A_502 = arith.addi %mul3A_500, %add3A_501 : i32
      %dma_start3A_503 = arith.constant 1408 : i32
      %dma_start3A_504 = arith.constant 0 : i32
      %dma_start3A_505 = tpu.memref_slice %arg6[%dma_start3A_503, %dma_start3A_504] : memref<1664x32xf32, #tpu.memory_space<vmem>> -> memref<128x32xf32, #tpu.memory_space<vmem>>
      %dma_start3A_506 = arith.constant 0 : i32
      %dma_start3A_507 = tpu.memref_slice %arg5[%add3A_502, %dma_start3A_506] : memref<104x128xi32, #tpu.memory_space<vmem>> -> memref<1x128xi32, #tpu.memory_space<vmem>>
      %dma_start3A_508 = tpu.memref_squeeze %dma_start3A_507 : memref<1x128xi32, #tpu.memory_space<vmem>> -> memref<128xi32, #tpu.memory_space<vmem>>
      %dma_start3A_509 = arith.constant 0 : i32
      %dma_start3A_510 = arith.constant 0 : i32
      %dma_start3A_511 = tpu.memref_slice %arg3[%dma_start3A_509, %dma_start3A_510] : memref<1000000x32xf32, #tpu.memory_space<hbm>> -> memref<1000000x32xf32, #tpu.memory_space<hbm>>
      tpu.enqueue_indirect_dma source(%dma_start3A_511 : memref<1000000x32xf32, #tpu.memory_space<hbm>>) target(%dma_start3A_505 : memref<128x32xf32, #tpu.memory_space<vmem>>) offsets(%dma_start3A_508 : memref<128xi32, #tpu.memory_space<vmem>>) semaphore(%arg8 : memref<!tpu.dma_semaphore, #tpu.memory_space<semaphore_mem>>)
      %mul3A_512 = arith.constant 13 : i32
      %mul3A_513 = arith.muli %add3A_355, %mul3A_512 : i32
      %add3A_514 = arith.constant 12 : i32
      %add3A_515 = arith.addi %mul3A_513, %add3A_514 : i32
      %dma_start3A_516 = arith.constant 1536 : i32
      %dma_start3A_517 = arith.constant 0 : i32
      %dma_start3A_518 = tpu.memref_slice %arg6[%dma_start3A_516, %dma_start3A_517] : memref<1664x32xf32, #tpu.memory_space<vmem>> -> memref<128x32xf32, #tpu.memory_space<vmem>>
      %dma_start3A_519 = arith.constant 0 : i32
      %dma_start3A_520 = tpu.memref_slice %arg5[%add3A_515, %dma_start3A_519] : memref<104x128xi32, #tpu.memory_space<vmem>> -> memref<1x128xi32, #tpu.memory_space<vmem>>
      %dma_start3A_521 = tpu.memref_squeeze %dma_start3A_520 : memref<1x128xi32, #tpu.memory_space<vmem>> -> memref<128xi32, #tpu.memory_space<vmem>>
      %dma_start3A_522 = arith.constant 0 : i32
      %dma_start3A_523 = arith.constant 0 : i32
      %dma_start3A_524 = tpu.memref_slice %arg3[%dma_start3A_522, %dma_start3A_523] : memref<1000000x32xf32, #tpu.memory_space<hbm>> -> memref<1000000x32xf32, #tpu.memory_space<hbm>>
      tpu.enqueue_indirect_dma source(%dma_start3A_524 : memref<1000000x32xf32, #tpu.memory_space<hbm>>) target(%dma_start3A_518 : memref<128x32xf32, #tpu.memory_space<vmem>>) offsets(%dma_start3A_521 : memref<128xi32, #tpu.memory_space<vmem>>) semaphore(%arg8 : memref<!tpu.dma_semaphore, #tpu.memory_space<semaphore_mem>>)
      %add3A_525 = arith.constant 1 : i32
      %add3A_526 = arith.addi %mul3A_312, %add3A_525 : i32
      %mul3A_527 = arith.constant 13 : i32
      %mul3A_528 = arith.muli %add3A_526, %mul3A_527 : i32
      %add3A_529 = arith.addi %mul3A_2, %mul3A_528 : i32
      %mul3A_530 = arith.constant 128 : i32
      %mul3A_531 = arith.muli %add3A_529, %mul3A_530 : i32
      %dma_wait3A_532 = arith.constant 0 : i32
      %dma_wait3A_533 = tpu.memref_slice %arg4[%mul3A_531, %dma_wait3A_532] : memref<425984x32xf32, #tpu.memory_space<hbm>> -> memref<1664x32xf32, #tpu.memory_space<hbm>>
      %dma_wait3A_534 = arith.constant 0 : i32
      %dma_wait3A_535 = tpu.memref_slice %arg4[%mul3A_531, %dma_wait3A_534] : memref<425984x32xf32, #tpu.memory_space<hbm>> -> memref<1664x32xf32, #tpu.memory_space<hbm>>
      tpu.wait_dma2 semaphore(%arg11 : memref<!tpu.dma_semaphore, #tpu.memory_space<semaphore_mem>>) src(%arg7 : memref<1664x32xf32, #tpu.memory_space<vmem>>) dst(%dma_wait3A_535 : memref<1664x32xf32, #tpu.memory_space<hbm>>)
      %add3A_536 = arith.constant 3 : i32
      %add3A_537 = arith.addi %mul3A_312, %add3A_536 : i32
      %mul3A_538 = arith.constant 13 : i32
      %mul3A_539 = arith.muli %add3A_537, %mul3A_538 : i32
      %add3A_540 = arith.constant 0 : i32
      %add3A_541 = arith.addi %mul3A_539, %add3A_540 : i32
      %dma_start3A_542 = arith.constant 0 : i32
      %dma_start3A_543 = arith.constant 0 : i32
      %dma_start3A_544 = tpu.memref_slice %arg7[%dma_start3A_542, %dma_start3A_543] : memref<1664x32xf32, #tpu.memory_space<vmem>> -> memref<128x32xf32, #tpu.memory_space<vmem>>
      %dma_start3A_545 = arith.constant 0 : i32
      %dma_start3A_546 = tpu.memref_slice %arg5[%add3A_541, %dma_start3A_545] : memref<104x128xi32, #tpu.memory_space<vmem>> -> memref<1x128xi32, #tpu.memory_space<vmem>>
      %dma_start3A_547 = tpu.memref_squeeze %dma_start3A_546 : memref<1x128xi32, #tpu.memory_space<vmem>> -> memref<128xi32, #tpu.memory_space<vmem>>
      %dma_start3A_548 = arith.constant 0 : i32
      %dma_start3A_549 = arith.constant 0 : i32
      %dma_start3A_550 = tpu.memref_slice %arg3[%dma_start3A_548, %dma_start3A_549] : memref<1000000x32xf32, #tpu.memory_space<hbm>> -> memref<1000000x32xf32, #tpu.memory_space<hbm>>
      tpu.enqueue_indirect_dma source(%dma_start3A_550 : memref<1000000x32xf32, #tpu.memory_space<hbm>>) target(%dma_start3A_544 : memref<128x32xf32, #tpu.memory_space<vmem>>) offsets(%dma_start3A_547 : memref<128xi32, #tpu.memory_space<vmem>>) semaphore(%arg9 : memref<!tpu.dma_semaphore, #tpu.memory_space<semaphore_mem>>)
      %mul3A_551 = arith.constant 13 : i32
      %mul3A_552 = arith.muli %add3A_537, %mul3A_551 : i32
      %add3A_553 = arith.constant 1 : i32
      %add3A_554 = arith.addi %mul3A_552, %add3A_553 : i32
      %dma_start3A_555 = arith.constant 128 : i32
      %dma_start3A_556 = arith.constant 0 : i32
      %dma_start3A_557 = tpu.memref_slice %arg7[%dma_start3A_555, %dma_start3A_556] : memref<1664x32xf32, #tpu.memory_space<vmem>> -> memref<128x32xf32, #tpu.memory_space<vmem>>
      %dma_start3A_558 = arith.constant 0 : i32
      %dma_start3A_559 = tpu.memref_slice %arg5[%add3A_554, %dma_start3A_558] : memref<104x128xi32, #tpu.memory_space<vmem>> -> memref<1x128xi32, #tpu.memory_space<vmem>>
      %dma_start3A_560 = tpu.memref_squeeze %dma_start3A_559 : memref<1x128xi32, #tpu.memory_space<vmem>> -> memref<128xi32, #tpu.memory_space<vmem>>
      %dma_start3A_561 = arith.constant 0 : i32
      %dma_start3A_562 = arith.constant 0 : i32
      %dma_start3A_563 = tpu.memref_slice %arg3[%dma_start3A_561, %dma_start3A_562] : memref<1000000x32xf32, #tpu.memory_space<hbm>> -> memref<1000000x32xf32, #tpu.memory_space<hbm>>
      tpu.enqueue_indirect_dma source(%dma_start3A_563 : memref<1000000x32xf32, #tpu.memory_space<hbm>>) target(%dma_start3A_557 : memref<128x32xf32, #tpu.memory_space<vmem>>) offsets(%dma_start3A_560 : memref<128xi32, #tpu.memory_space<vmem>>) semaphore(%arg9 : memref<!tpu.dma_semaphore, #tpu.memory_space<semaphore_mem>>)
      %mul3A_564 = arith.constant 13 : i32
      %mul3A_565 = arith.muli %add3A_537, %mul3A_564 : i32
      %add3A_566 = arith.constant 2 : i32
      %add3A_567 = arith.addi %mul3A_565, %add3A_566 : i32
      %dma_start3A_568 = arith.constant 256 : i32
      %dma_start3A_569 = arith.constant 0 : i32
      %dma_start3A_570 = tpu.memref_slice %arg7[%dma_start3A_568, %dma_start3A_569] : memref<1664x32xf32, #tpu.memory_space<vmem>> -> memref<128x32xf32, #tpu.memory_space<vmem>>
      %dma_start3A_571 = arith.constant 0 : i32
      %dma_start3A_572 = tpu.memref_slice %arg5[%add3A_567, %dma_start3A_571] : memref<104x128xi32, #tpu.memory_space<vmem>> -> memref<1x128xi32, #tpu.memory_space<vmem>>
      %dma_start3A_573 = tpu.memref_squeeze %dma_start3A_572 : memref<1x128xi32, #tpu.memory_space<vmem>> -> memref<128xi32, #tpu.memory_space<vmem>>
      %dma_start3A_574 = arith.constant 0 : i32
      %dma_start3A_575 = arith.constant 0 : i32
      %dma_start3A_576 = tpu.memref_slice %arg3[%dma_start3A_574, %dma_start3A_575] : memref<1000000x32xf32, #tpu.memory_space<hbm>> -> memref<1000000x32xf32, #tpu.memory_space<hbm>>
      tpu.enqueue_indirect_dma source(%dma_start3A_576 : memref<1000000x32xf32, #tpu.memory_space<hbm>>) target(%dma_start3A_570 : memref<128x32xf32, #tpu.memory_space<vmem>>) offsets(%dma_start3A_573 : memref<128xi32, #tpu.memory_space<vmem>>) semaphore(%arg9 : memref<!tpu.dma_semaphore, #tpu.memory_space<semaphore_mem>>)
      %mul3A_577 = arith.constant 13 : i32
      %mul3A_578 = arith.muli %add3A_537, %mul3A_577 : i32
      %add3A_579 = arith.constant 3 : i32
      %add3A_580 = arith.addi %mul3A_578, %add3A_579 : i32
      %dma_start3A_581 = arith.constant 384 : i32
      %dma_start3A_582 = arith.constant 0 : i32
      %dma_start3A_583 = tpu.memref_slice %arg7[%dma_start3A_581, %dma_start3A_582] : memref<1664x32xf32, #tpu.memory_space<vmem>> -> memref<128x32xf32, #tpu.memory_space<vmem>>
      %dma_start3A_584 = arith.constant 0 : i32
      %dma_start3A_585 = tpu.memref_slice %arg5[%add3A_580, %dma_start3A_584] : memref<104x128xi32, #tpu.memory_space<vmem>> -> memref<1x128xi32, #tpu.memory_space<vmem>>
      %dma_start3A_586 = tpu.memref_squeeze %dma_start3A_585 : memref<1x128xi32, #tpu.memory_space<vmem>> -> memref<128xi32, #tpu.memory_space<vmem>>
      %dma_start3A_587 = arith.constant 0 : i32
      %dma_start3A_588 = arith.constant 0 : i32
      %dma_start3A_589 = tpu.memref_slice %arg3[%dma_start3A_587, %dma_start3A_588] : memref<1000000x32xf32, #tpu.memory_space<hbm>> -> memref<1000000x32xf32, #tpu.memory_space<hbm>>
      tpu.enqueue_indirect_dma source(%dma_start3A_589 : memref<1000000x32xf32, #tpu.memory_space<hbm>>) target(%dma_start3A_583 : memref<128x32xf32, #tpu.memory_space<vmem>>) offsets(%dma_start3A_586 : memref<128xi32, #tpu.memory_space<vmem>>) semaphore(%arg9 : memref<!tpu.dma_semaphore, #tpu.memory_space<semaphore_mem>>)
      %mul3A_590 = arith.constant 13 : i32
      %mul3A_591 = arith.muli %add3A_537, %mul3A_590 : i32
      %add3A_592 = arith.constant 4 : i32
      %add3A_593 = arith.addi %mul3A_591, %add3A_592 : i32
      %dma_start3A_594 = arith.constant 512 : i32
      %dma_start3A_595 = arith.constant 0 : i32
      %dma_start3A_596 = tpu.memref_slice %arg7[%dma_start3A_594, %dma_start3A_595] : memref<1664x32xf32, #tpu.memory_space<vmem>> -> memref<128x32xf32, #tpu.memory_space<vmem>>
      %dma_start3A_597 = arith.constant 0 : i32
      %dma_start3A_598 = tpu.memref_slice %arg5[%add3A_593, %dma_start3A_597] : memref<104x128xi32, #tpu.memory_space<vmem>> -> memref<1x128xi32, #tpu.memory_space<vmem>>
      %dma_start3A_599 = tpu.memref_squeeze %dma_start3A_598 : memref<1x128xi32, #tpu.memory_space<vmem>> -> memref<128xi32, #tpu.memory_space<vmem>>
      %dma_start3A_600 = arith.constant 0 : i32
      %dma_start3A_601 = arith.constant 0 : i32
      %dma_start3A_602 = tpu.memref_slice %arg3[%dma_start3A_600, %dma_start3A_601] : memref<1000000x32xf32, #tpu.memory_space<hbm>> -> memref<1000000x32xf32, #tpu.memory_space<hbm>>
      tpu.enqueue_indirect_dma source(%dma_start3A_602 : memref<1000000x32xf32, #tpu.memory_space<hbm>>) target(%dma_start3A_596 : memref<128x32xf32, #tpu.memory_space<vmem>>) offsets(%dma_start3A_599 : memref<128xi32, #tpu.memory_space<vmem>>) semaphore(%arg9 : memref<!tpu.dma_semaphore, #tpu.memory_space<semaphore_mem>>)
      %mul3A_603 = arith.constant 13 : i32
      %mul3A_604 = arith.muli %add3A_537, %mul3A_603 : i32
      %add3A_605 = arith.constant 5 : i32
      %add3A_606 = arith.addi %mul3A_604, %add3A_605 : i32
      %dma_start3A_607 = arith.constant 640 : i32
      %dma_start3A_608 = arith.constant 0 : i32
      %dma_start3A_609 = tpu.memref_slice %arg7[%dma_start3A_607, %dma_start3A_608] : memref<1664x32xf32, #tpu.memory_space<vmem>> -> memref<128x32xf32, #tpu.memory_space<vmem>>
      %dma_start3A_610 = arith.constant 0 : i32
      %dma_start3A_611 = tpu.memref_slice %arg5[%add3A_606, %dma_start3A_610] : memref<104x128xi32, #tpu.memory_space<vmem>> -> memref<1x128xi32, #tpu.memory_space<vmem>>
      %dma_start3A_612 = tpu.memref_squeeze %dma_start3A_611 : memref<1x128xi32, #tpu.memory_space<vmem>> -> memref<128xi32, #tpu.memory_space<vmem>>
      %dma_start3A_613 = arith.constant 0 : i32
      %dma_start3A_614 = arith.constant 0 : i32
      %dma_start3A_615 = tpu.memref_slice %arg3[%dma_start3A_613, %dma_start3A_614] : memref<1000000x32xf32, #tpu.memory_space<hbm>> -> memref<1000000x32xf32, #tpu.memory_space<hbm>>
      tpu.enqueue_indirect_dma source(%dma_start3A_615 : memref<1000000x32xf32, #tpu.memory_space<hbm>>) target(%dma_start3A_609 : memref<128x32xf32, #tpu.memory_space<vmem>>) offsets(%dma_start3A_612 : memref<128xi32, #tpu.memory_space<vmem>>) semaphore(%arg9 : memref<!tpu.dma_semaphore, #tpu.memory_space<semaphore_mem>>)
      %mul3A_616 = arith.constant 13 : i32
      %mul3A_617 = arith.muli %add3A_537, %mul3A_616 : i32
      %add3A_618 = arith.constant 6 : i32
      %add3A_619 = arith.addi %mul3A_617, %add3A_618 : i32
      %dma_start3A_620 = arith.constant 768 : i32
      %dma_start3A_621 = arith.constant 0 : i32
      %dma_start3A_622 = tpu.memref_slice %arg7[%dma_start3A_620, %dma_start3A_621] : memref<1664x32xf32, #tpu.memory_space<vmem>> -> memref<128x32xf32, #tpu.memory_space<vmem>>
      %dma_start3A_623 = arith.constant 0 : i32
      %dma_start3A_624 = tpu.memref_slice %arg5[%add3A_619, %dma_start3A_623] : memref<104x128xi32, #tpu.memory_space<vmem>> -> memref<1x128xi32, #tpu.memory_space<vmem>>
      %dma_start3A_625 = tpu.memref_squeeze %dma_start3A_624 : memref<1x128xi32, #tpu.memory_space<vmem>> -> memref<128xi32, #tpu.memory_space<vmem>>
      %dma_start3A_626 = arith.constant 0 : i32
      %dma_start3A_627 = arith.constant 0 : i32
      %dma_start3A_628 = tpu.memref_slice %arg3[%dma_start3A_626, %dma_start3A_627] : memref<1000000x32xf32, #tpu.memory_space<hbm>> -> memref<1000000x32xf32, #tpu.memory_space<hbm>>
      tpu.enqueue_indirect_dma source(%dma_start3A_628 : memref<1000000x32xf32, #tpu.memory_space<hbm>>) target(%dma_start3A_622 : memref<128x32xf32, #tpu.memory_space<vmem>>) offsets(%dma_start3A_625 : memref<128xi32, #tpu.memory_space<vmem>>) semaphore(%arg9 : memref<!tpu.dma_semaphore, #tpu.memory_space<semaphore_mem>>)
      %mul3A_629 = arith.constant 13 : i32
      %mul3A_630 = arith.muli %add3A_537, %mul3A_629 : i32
      %add3A_631 = arith.constant 7 : i32
      %add3A_632 = arith.addi %mul3A_630, %add3A_631 : i32
      %dma_start3A_633 = arith.constant 896 : i32
      %dma_start3A_634 = arith.constant 0 : i32
      %dma_start3A_635 = tpu.memref_slice %arg7[%dma_start3A_633, %dma_start3A_634] : memref<1664x32xf32, #tpu.memory_space<vmem>> -> memref<128x32xf32, #tpu.memory_space<vmem>>
      %dma_start3A_636 = arith.constant 0 : i32
      %dma_start3A_637 = tpu.memref_slice %arg5[%add3A_632, %dma_start3A_636] : memref<104x128xi32, #tpu.memory_space<vmem>> -> memref<1x128xi32, #tpu.memory_space<vmem>>
      %dma_start3A_638 = tpu.memref_squeeze %dma_start3A_637 : memref<1x128xi32, #tpu.memory_space<vmem>> -> memref<128xi32, #tpu.memory_space<vmem>>
      %dma_start3A_639 = arith.constant 0 : i32
      %dma_start3A_640 = arith.constant 0 : i32
      %dma_start3A_641 = tpu.memref_slice %arg3[%dma_start3A_639, %dma_start3A_640] : memref<1000000x32xf32, #tpu.memory_space<hbm>> -> memref<1000000x32xf32, #tpu.memory_space<hbm>>
      tpu.enqueue_indirect_dma source(%dma_start3A_641 : memref<1000000x32xf32, #tpu.memory_space<hbm>>) target(%dma_start3A_635 : memref<128x32xf32, #tpu.memory_space<vmem>>) offsets(%dma_start3A_638 : memref<128xi32, #tpu.memory_space<vmem>>) semaphore(%arg9 : memref<!tpu.dma_semaphore, #tpu.memory_space<semaphore_mem>>)
      %mul3A_642 = arith.constant 13 : i32
      %mul3A_643 = arith.muli %add3A_537, %mul3A_642 : i32
      %add3A_644 = arith.constant 8 : i32
      %add3A_645 = arith.addi %mul3A_643, %add3A_644 : i32
      %dma_start3A_646 = arith.constant 1024 : i32
      %dma_start3A_647 = arith.constant 0 : i32
      %dma_start3A_648 = tpu.memref_slice %arg7[%dma_start3A_646, %dma_start3A_647] : memref<1664x32xf32, #tpu.memory_space<vmem>> -> memref<128x32xf32, #tpu.memory_space<vmem>>
      %dma_start3A_649 = arith.constant 0 : i32
      %dma_start3A_650 = tpu.memref_slice %arg5[%add3A_645, %dma_start3A_649] : memref<104x128xi32, #tpu.memory_space<vmem>> -> memref<1x128xi32, #tpu.memory_space<vmem>>
      %dma_start3A_651 = tpu.memref_squeeze %dma_start3A_650 : memref<1x128xi32, #tpu.memory_space<vmem>> -> memref<128xi32, #tpu.memory_space<vmem>>
      %dma_start3A_652 = arith.constant 0 : i32
      %dma_start3A_653 = arith.constant 0 : i32
      %dma_start3A_654 = tpu.memref_slice %arg3[%dma_start3A_652, %dma_start3A_653] : memref<1000000x32xf32, #tpu.memory_space<hbm>> -> memref<1000000x32xf32, #tpu.memory_space<hbm>>
      tpu.enqueue_indirect_dma source(%dma_start3A_654 : memref<1000000x32xf32, #tpu.memory_space<hbm>>) target(%dma_start3A_648 : memref<128x32xf32, #tpu.memory_space<vmem>>) offsets(%dma_start3A_651 : memref<128xi32, #tpu.memory_space<vmem>>) semaphore(%arg9 : memref<!tpu.dma_semaphore, #tpu.memory_space<semaphore_mem>>)
      %mul3A_655 = arith.constant 13 : i32
      %mul3A_656 = arith.muli %add3A_537, %mul3A_655 : i32
      %add3A_657 = arith.constant 9 : i32
      %add3A_658 = arith.addi %mul3A_656, %add3A_657 : i32
      %dma_start3A_659 = arith.constant 1152 : i32
      %dma_start3A_660 = arith.constant 0 : i32
      %dma_start3A_661 = tpu.memref_slice %arg7[%dma_start3A_659, %dma_start3A_660] : memref<1664x32xf32, #tpu.memory_space<vmem>> -> memref<128x32xf32, #tpu.memory_space<vmem>>
      %dma_start3A_662 = arith.constant 0 : i32
      %dma_start3A_663 = tpu.memref_slice %arg5[%add3A_658, %dma_start3A_662] : memref<104x128xi32, #tpu.memory_space<vmem>> -> memref<1x128xi32, #tpu.memory_space<vmem>>
      %dma_start3A_664 = tpu.memref_squeeze %dma_start3A_663 : memref<1x128xi32, #tpu.memory_space<vmem>> -> memref<128xi32, #tpu.memory_space<vmem>>
      %dma_start3A_665 = arith.constant 0 : i32
      %dma_start3A_666 = arith.constant 0 : i32
      %dma_start3A_667 = tpu.memref_slice %arg3[%dma_start3A_665, %dma_start3A_666] : memref<1000000x32xf32, #tpu.memory_space<hbm>> -> memref<1000000x32xf32, #tpu.memory_space<hbm>>
      tpu.enqueue_indirect_dma source(%dma_start3A_667 : memref<1000000x32xf32, #tpu.memory_space<hbm>>) target(%dma_start3A_661 : memref<128x32xf32, #tpu.memory_space<vmem>>) offsets(%dma_start3A_664 : memref<128xi32, #tpu.memory_space<vmem>>) semaphore(%arg9 : memref<!tpu.dma_semaphore, #tpu.memory_space<semaphore_mem>>)
      %mul3A_668 = arith.constant 13 : i32
      %mul3A_669 = arith.muli %add3A_537, %mul3A_668 : i32
      %add3A_670 = arith.constant 10 : i32
      %add3A_671 = arith.addi %mul3A_669, %add3A_670 : i32
      %dma_start3A_672 = arith.constant 1280 : i32
      %dma_start3A_673 = arith.constant 0 : i32
      %dma_start3A_674 = tpu.memref_slice %arg7[%dma_start3A_672, %dma_start3A_673] : memref<1664x32xf32, #tpu.memory_space<vmem>> -> memref<128x32xf32, #tpu.memory_space<vmem>>
      %dma_start3A_675 = arith.constant 0 : i32
      %dma_start3A_676 = tpu.memref_slice %arg5[%add3A_671, %dma_start3A_675] : memref<104x128xi32, #tpu.memory_space<vmem>> -> memref<1x128xi32, #tpu.memory_space<vmem>>
      %dma_start3A_677 = tpu.memref_squeeze %dma_start3A_676 : memref<1x128xi32, #tpu.memory_space<vmem>> -> memref<128xi32, #tpu.memory_space<vmem>>
      %dma_start3A_678 = arith.constant 0 : i32
      %dma_start3A_679 = arith.constant 0 : i32
      %dma_start3A_680 = tpu.memref_slice %arg3[%dma_start3A_678, %dma_start3A_679] : memref<1000000x32xf32, #tpu.memory_space<hbm>> -> memref<1000000x32xf32, #tpu.memory_space<hbm>>
      tpu.enqueue_indirect_dma source(%dma_start3A_680 : memref<1000000x32xf32, #tpu.memory_space<hbm>>) target(%dma_start3A_674 : memref<128x32xf32, #tpu.memory_space<vmem>>) offsets(%dma_start3A_677 : memref<128xi32, #tpu.memory_space<vmem>>) semaphore(%arg9 : memref<!tpu.dma_semaphore, #tpu.memory_space<semaphore_mem>>)
      %mul3A_681 = arith.constant 13 : i32
      %mul3A_682 = arith.muli %add3A_537, %mul3A_681 : i32
      %add3A_683 = arith.constant 11 : i32
      %add3A_684 = arith.addi %mul3A_682, %add3A_683 : i32
      %dma_start3A_685 = arith.constant 1408 : i32
      %dma_start3A_686 = arith.constant 0 : i32
      %dma_start3A_687 = tpu.memref_slice %arg7[%dma_start3A_685, %dma_start3A_686] : memref<1664x32xf32, #tpu.memory_space<vmem>> -> memref<128x32xf32, #tpu.memory_space<vmem>>
      %dma_start3A_688 = arith.constant 0 : i32
      %dma_start3A_689 = tpu.memref_slice %arg5[%add3A_684, %dma_start3A_688] : memref<104x128xi32, #tpu.memory_space<vmem>> -> memref<1x128xi32, #tpu.memory_space<vmem>>
      %dma_start3A_690 = tpu.memref_squeeze %dma_start3A_689 : memref<1x128xi32, #tpu.memory_space<vmem>> -> memref<128xi32, #tpu.memory_space<vmem>>
      %dma_start3A_691 = arith.constant 0 : i32
      %dma_start3A_692 = arith.constant 0 : i32
      %dma_start3A_693 = tpu.memref_slice %arg3[%dma_start3A_691, %dma_start3A_692] : memref<1000000x32xf32, #tpu.memory_space<hbm>> -> memref<1000000x32xf32, #tpu.memory_space<hbm>>
      tpu.enqueue_indirect_dma source(%dma_start3A_693 : memref<1000000x32xf32, #tpu.memory_space<hbm>>) target(%dma_start3A_687 : memref<128x32xf32, #tpu.memory_space<vmem>>) offsets(%dma_start3A_690 : memref<128xi32, #tpu.memory_space<vmem>>) semaphore(%arg9 : memref<!tpu.dma_semaphore, #tpu.memory_space<semaphore_mem>>)
      %mul3A_694 = arith.constant 13 : i32
      %mul3A_695 = arith.muli %add3A_537, %mul3A_694 : i32
      %add3A_696 = arith.constant 12 : i32
      %add3A_697 = arith.addi %mul3A_695, %add3A_696 : i32
      %dma_start3A_698 = arith.constant 1536 : i32
      %dma_start3A_699 = arith.constant 0 : i32
      %dma_start3A_700 = tpu.memref_slice %arg7[%dma_start3A_698, %dma_start3A_699] : memref<1664x32xf32, #tpu.memory_space<vmem>> -> memref<128x32xf32, #tpu.memory_space<vmem>>
      %dma_start3A_701 = arith.constant 0 : i32
      %dma_start3A_702 = tpu.memref_slice %arg5[%add3A_697, %dma_start3A_701] : memref<104x128xi32, #tpu.memory_space<vmem>> -> memref<1x128xi32, #tpu.memory_space<vmem>>
      %dma_start3A_703 = tpu.memref_squeeze %dma_start3A_702 : memref<1x128xi32, #tpu.memory_space<vmem>> -> memref<128xi32, #tpu.memory_space<vmem>>
      %dma_start3A_704 = arith.constant 0 : i32
      %dma_start3A_705 = arith.constant 0 : i32
      %dma_start3A_706 = tpu.memref_slice %arg3[%dma_start3A_704, %dma_start3A_705] : memref<1000000x32xf32, #tpu.memory_space<hbm>> -> memref<1000000x32xf32, #tpu.memory_space<hbm>>
      tpu.enqueue_indirect_dma source(%dma_start3A_706 : memref<1000000x32xf32, #tpu.memory_space<hbm>>) target(%dma_start3A_700 : memref<128x32xf32, #tpu.memory_space<vmem>>) offsets(%dma_start3A_703 : memref<128xi32, #tpu.memory_space<vmem>>) semaphore(%arg9 : memref<!tpu.dma_semaphore, #tpu.memory_space<semaphore_mem>>)
    }
    %scan3A_266 = arith.constant 3 : i32
    %dma_wait3A = arith.constant 0 : i32
    %dma_wait3A_267 = arith.constant 0 : i32
    %dma_wait3A_268 = tpu.memref_slice %arg3[%dma_wait3A, %dma_wait3A_267] : memref<1000000x32xf32, #tpu.memory_space<hbm>> -> memref<1664x32xf32, #tpu.memory_space<hbm>>
    %dma_wait3A_269 = arith.constant 0 : i32
    %dma_wait3A_270 = arith.constant 0 : i32
    %dma_wait3A_271 = tpu.memref_slice %arg3[%dma_wait3A_269, %dma_wait3A_270] : memref<1000000x32xf32, #tpu.memory_space<hbm>> -> memref<1664x32xf32, #tpu.memory_space<hbm>>
    tpu.wait_dma2 semaphore(%arg8 : memref<!tpu.dma_semaphore, #tpu.memory_space<semaphore_mem>>) src(%dma_wait3A_271 : memref<1664x32xf32, #tpu.memory_space<hbm>>) dst(%arg6 : memref<1664x32xf32, #tpu.memory_space<vmem>>)
    %add3A_272 = arith.constant 78 : i32
    %add3A_273 = arith.addi %mul3A_2, %add3A_272 : i32
    %mul3A_274 = arith.constant 128 : i32
    %mul3A_275 = arith.muli %add3A_273, %mul3A_274 : i32
    %dma_start3A_276 = arith.constant 0 : i32
    %dma_start3A_277 = tpu.memref_slice %arg4[%mul3A_275, %dma_start3A_276] : memref<425984x32xf32, #tpu.memory_space<hbm>> -> memref<1664x32xf32, #tpu.memory_space<hbm>>
    %dma_start3A_278 = arith.constant 0 : i32
    %dma_start3A_279 = tpu.memref_slice %arg4[%mul3A_275, %dma_start3A_278] : memref<425984x32xf32, #tpu.memory_space<hbm>> -> memref<1664x32xf32, #tpu.memory_space<hbm>>
    tpu.enqueue_dma source(%arg6 : memref<1664x32xf32, #tpu.memory_space<vmem>>) target(%dma_start3A_279 : memref<1664x32xf32, #tpu.memory_space<hbm>>) target_semaphore(%arg10 : memref<!tpu.dma_semaphore, #tpu.memory_space<semaphore_mem>>)
    %dma_wait3A_280 = arith.constant 0 : i32
    %dma_wait3A_281 = arith.constant 0 : i32
    %dma_wait3A_282 = tpu.memref_slice %arg3[%dma_wait3A_280, %dma_wait3A_281] : memref<1000000x32xf32, #tpu.memory_space<hbm>> -> memref<1664x32xf32, #tpu.memory_space<hbm>>
    %dma_wait3A_283 = arith.constant 0 : i32
    %dma_wait3A_284 = arith.constant 0 : i32
    %dma_wait3A_285 = tpu.memref_slice %arg3[%dma_wait3A_283, %dma_wait3A_284] : memref<1000000x32xf32, #tpu.memory_space<hbm>> -> memref<1664x32xf32, #tpu.memory_space<hbm>>
    tpu.wait_dma2 semaphore(%arg9 : memref<!tpu.dma_semaphore, #tpu.memory_space<semaphore_mem>>) src(%dma_wait3A_285 : memref<1664x32xf32, #tpu.memory_space<hbm>>) dst(%arg7 : memref<1664x32xf32, #tpu.memory_space<vmem>>)
    %add3A_286 = arith.constant 91 : i32
    %add3A_287 = arith.addi %mul3A_2, %add3A_286 : i32
    %mul3A_288 = arith.constant 128 : i32
    %mul3A_289 = arith.muli %add3A_287, %mul3A_288 : i32
    %dma_start3A_290 = arith.constant 0 : i32
    %dma_start3A_291 = tpu.memref_slice %arg4[%mul3A_289, %dma_start3A_290] : memref<425984x32xf32, #tpu.memory_space<hbm>> -> memref<1664x32xf32, #tpu.memory_space<hbm>>
    %dma_start3A_292 = arith.constant 0 : i32
    %dma_start3A_293 = tpu.memref_slice %arg4[%mul3A_289, %dma_start3A_292] : memref<425984x32xf32, #tpu.memory_space<hbm>> -> memref<1664x32xf32, #tpu.memory_space<hbm>>
    tpu.enqueue_dma source(%arg7 : memref<1664x32xf32, #tpu.memory_space<vmem>>) target(%dma_start3A_293 : memref<1664x32xf32, #tpu.memory_space<hbm>>) target_semaphore(%arg11 : memref<!tpu.dma_semaphore, #tpu.memory_space<semaphore_mem>>)
    %add3A_294 = arith.constant 78 : i32
    %add3A_295 = arith.addi %mul3A_2, %add3A_294 : i32
    %mul3A_296 = arith.constant 128 : i32
    %mul3A_297 = arith.muli %add3A_295, %mul3A_296 : i32
    %dma_wait3A_298 = arith.constant 0 : i32
    %dma_wait3A_299 = tpu.memref_slice %arg4[%mul3A_297, %dma_wait3A_298] : memref<425984x32xf32, #tpu.memory_space<hbm>> -> memref<1664x32xf32, #tpu.memory_space<hbm>>
    %dma_wait3A_300 = arith.constant 0 : i32
    %dma_wait3A_301 = tpu.memref_slice %arg4[%mul3A_297, %dma_wait3A_300] : memref<425984x32xf32, #tpu.memory_space<hbm>> -> memref<1664x32xf32, #tpu.memory_space<hbm>>
    tpu.wait_dma2 semaphore(%arg10 : memref<!tpu.dma_semaphore, #tpu.memory_space<semaphore_mem>>) src(%arg6 : memref<1664x32xf32, #tpu.memory_space<vmem>>) dst(%dma_wait3A_301 : memref<1664x32xf32, #tpu.memory_space<hbm>>)
    %add3A_302 = arith.constant 91 : i32
    %add3A_303 = arith.addi %mul3A_2, %add3A_302 : i32
    %mul3A_304 = arith.constant 128 : i32
    %mul3A_305 = arith.muli %add3A_303, %mul3A_304 : i32
    %dma_wait3A_306 = arith.constant 0 : i32
    %dma_wait3A_307 = tpu.memref_slice %arg4[%mul3A_305, %dma_wait3A_306] : memref<425984x32xf32, #tpu.memory_space<hbm>> -> memref<1664x32xf32, #tpu.memory_space<hbm>>
    %dma_wait3A_308 = arith.constant 0 : i32
    %dma_wait3A_309 = tpu.memref_slice %arg4[%mul3A_305, %dma_wait3A_308] : memref<425984x32xf32, #tpu.memory_space<hbm>> -> memref<1664x32xf32, #tpu.memory_space<hbm>>
    tpu.wait_dma2 semaphore(%arg11 : memref<!tpu.dma_semaphore, #tpu.memory_space<semaphore_mem>>) src(%arg7 : memref<1664x32xf32, #tpu.memory_space<vmem>>) dst(%dma_wait3A_309 : memref<1664x32xf32, #tpu.memory_space<hbm>>)
    return
  }
}

</mosaic_0001>

<sc_bundles>
// kernel: kernel.3.cloned.1.call-start
scs
__scs_entry_jumppad:
0x0: {  	(pc) =	sbr.rel $0x88, $3  }
0x1: {  	(tag) =	ssettag $0x0;
	lr =	simm.s32 $0x1  }
0x2: {  	[smem:$0x3F9F] =	sst lr;
	_ =	strace $0xD0000000  }
0x3: {  	_ = 	snop  }
0x4: {  	_ = 	snop  }
0x5: {  	_ = 	snop  }
0x6: {  	_ = 	snop  }
0x7: {  	_ = 	snop  }
__scs_overlays_trampoline_lowered:
0x8: {  	[smem:$0x3FAE] =	sst s0  }
0x9: {  	[smem:$0x3FAF] =	sst s1  }
0xa: {  	[smem:$0x3FB0] =	sst s2  }
0xb: {  	[smem:$0x3FB1] =	sst s3  }
0xc: {  	[smem:$0x3FB2] =	sst s4  }
0xd: {  	[smem:$0x3FB3] =	sst s5  }
0xe: {  	[smem:$0x3FB4] =	sst s6  }
0xf: {  	[smem:$0x3FB5] =	sst s7  }
0x10: {  	[smem:$0x3FB6] =	sst s8  }
0x11: {  	[smem:$0x3FB7] =	sst s9;
	s0 =	simm.s32 @!p0 $0x0  }
0x12: {  	s1 =	sld [smem:$0x3F9D];
	s0 =	simm.s32 @p0 $0x1  }
0x13: {  	[smem:$0x3FB8] =	sst s0;
	s0 =	simm.s32 @!p1 $0x0  }
0x14: {  	s2 =	sld [smem:$0x3F9C];
	s0 =	simm.s32 @p1 $0x1  }
0x15: {  	[smem:$0x3FB9] =	sst s0;
	s0 =	simm.s32 @!p2 $0x0  }
0x16: {  	s3 =	sld [smem:$0x3FDB];
	s0 =	simm.s32 @p2 $0x1  }
0x17: {  	s4 =	simm.s32 $0x1BF5;
	[smem:$0x3FBB] =	sst s0  }
0x18: {  	s0 =	sld [smem:$0x3F9E];
	_ =	swait.ge [sflag:s4], $0x0  }
0x19: {  	s7 =	sld [smem:$0x3F9F]  }
0x1a: {  	s8 =	sadd.s32 $0xFFFFE003, lr  }
0x1b: {  	s9 =	sadd.s32 $0xFFFFFEF7, lr;
	s5 =	simm.s32 $0xFFFFFFFF;
	p2 =	slt.u32 s8, $0xFFFFF086  }
0x1c: {  	p1 =	slt.u32 s9, $0xF7A;
	s5 =	simm.s32 @!p2 $0x0  }
0x1d: {  	s5 =	simm.s32 @p1 $0x1;
	p0 =	seq.s32 s7, s2  }
0x1e: {  	s7 =	smul.u32 @!p0 $0xF7A, s2;
	p2 =	seq.s32 @!p0 s5, $0x0  }
0x1f: {  	s9 =	smul.u32 $0xF7A, s1;
	s8 =	simm.s32 @!p0 $0x1BF5;
	p2 =	por !p2, p0  }
0x20: {  	[sflag:s8] =	ssyncset.s32 @!p0 $0xFFFFF086;
	s6 =	sadd.s32 @!p0 s3, s7;
	s7 =	simm.s32 @!p0 $0x108  }
0x21: {  	s3 =	sadd.s32 s3, s9;
	s6 =	sadd.s32 @!p0 $0x88, s6;
	s7 =	simm.s32 @p2 $0x1082  }
0x22: {  	[simem:s7], [sflag:s8] =	dma.local @!p0 [hbm:s6], $0xF7A  }
0x23: {  	s9 =	sor.u32 $0xD0000000, s2;
	s6 =	simm.s32 $0x108;
	_ =	swait.ge @!p0 [sflag:s8], $0x0  }
0x24: {  	s3 =	sadd.s32 $0x88, s3;
	s6 =	simm.s32 @!p1 $0x1082;
	[sflag:s4] =	ssyncset.s32 $0xFFFFF086  }
0x25: {  	[simem:s6], [sflag:s4] =	dma.local [hbm:s3], $0xF7A  }
0x26: {  	[smem:$0x3F9F] =	sst s1;
	(tag) =	ssettag s2;
	_ =	strace s9  }
0x27: {  	s1 =	sld [smem:$0x3FAF]  }
0x28: {  	s2 =	sld [smem:$0x3FB0]  }
0x29: {  	s4 =	sld [smem:$0x3FB2]  }
0x2a: {  	p0 =	seq.s32 s5, $0x0;
	s5 =	sld [smem:$0x3FB3]  }
0x2b: {  	s6 =	sld [smem:$0x3FB4]  }
0x2c: {  	s7 =	sld [smem:$0x3FB5]  }
0x2d: {  	s3 =	simm.s32 $0x108;
	s8 =	sld [smem:$0x3FB6]  }
0x2e: {  	s3 =	simm.s32 @!p0 $0x1082;
	s9 =	sld [smem:$0x3FB7]  }
0x2f: {  	lr =	sadd.s32 s0, s3;
	s0 =	sld [smem:$0x3FAE]  }
0x30: {  	s3 =	sld [smem:$0x3FB1]  }
0x31: {  	[smem:$0x3FBA] =	sst s10  }
0x32: {  	s10 =	sld [smem:$0x3FB8];
	_ =	sdelay $0x3  }
0x33: {  	p0 =	seq.s32 s10, $0x1;
	s10 =	sld [smem:$0x3FBA];
	_ =	sdelay $0x3  }
0x34: {  	[smem:$0x3FBA] =	sst s10  }
0x35: {  	s10 =	sld [smem:$0x3FB9];
	_ =	sdelay $0x3  }
0x36: {  	p1 =	seq.s32 s10, $0x1;
	s10 =	sld [smem:$0x3FBA];
	_ =	sdelay $0x3  }
0x37: {  	[smem:$0x3FBA] =	sst s10  }
0x38: {  	s10 =	sld [smem:$0x3FBB]  }
0x39: {  	_ = 	snop;
	(pc) =	sbr.ind lr, $3  }
0x3a: {  	_ = 	snop  }
0x3b: {  	_ = 	snop  }
0x3c: {  	p2 =	seq.s32 s10, $0x1;
	s10 =	sld [smem:$0x3FBA]  }
0x3d: {  	_ =	shalt  }
0x3e: {  	_ =	shalt  }
0x3f: {  	_ =	shalt  }
0x40: {  	_ =	shalt  }
0x41: {  	_ =	shalt  }
0x42: {  	_ =	shalt  }
0x43: {  	_ =	shalt  }
0x44: {  	_ =	shalt  }
0x45: {  	_ =	shalt  }
0x46: {  	_ =	shalt  }
0x47: {  	_ =	shalt  }
0x48: {  	_ =	shalt  }
0x49: {  	_ =	shalt  }
0x4a: {  	_ =	shalt  }
0x4b: {  	_ =	shalt  }
0x4c: {  	_ =	shalt  }
0x4d: {  	_ =	shalt  }
0x4e: {  	_ =	shalt  }
0x4f: {  	_ =	shalt  }
0x50: {  	_ =	shalt  }
0x51: {  	_ =	shalt  }
0x52: {  	_ =	shalt  }
0x53: {  	_ =	shalt  }
0x54: {  	_ =	shalt  }
0x55: {  	_ =	shalt  }
0x56: {  	_ =	shalt  }
0x57: {  	_ =	shalt  }
0x58: {  	_ =	shalt  }
0x59: {  	_ =	shalt  }
0x5a: {  	_ =	shalt  }
0x5b: {  	_ =	shalt  }
0x5c: {  	_ =	shalt  }
0x5d: {  	_ =	shalt  }
0x5e: {  	_ =	shalt  }
0x5f: {  	_ =	shalt  }
0x60: {  	_ =	shalt  }
0x61: {  	_ =	shalt  }
0x62: {  	_ =	shalt  }
0x63: {  	_ =	shalt  }
0x64: {  	_ =	shalt  }
0x65: {  	_ =	shalt  }
0x66: {  	_ =	shalt  }
0x67: {  	_ =	shalt  }
0x68: {  	_ =	shalt  }
0x69: {  	_ =	shalt  }
0x6a: {  	_ =	shalt  }
0x6b: {  	_ =	shalt  }
0x6c: {  	_ =	shalt  }
0x6d: {  	_ =	shalt  }
0x6e: {  	_ =	shalt  }
0x6f: {  	_ =	shalt  }
0x70: {  	_ =	shalt  }
0x71: {  	_ =	shalt  }
0x72: {  	_ =	shalt  }
0x73: {  	_ =	shalt  }
0x74: {  	_ =	shalt  }
0x75: {  	_ =	shalt  }
0x76: {  	_ =	shalt  }
0x77: {  	_ =	shalt  }
0x78: {  	_ =	shalt  }
0x79: {  	_ =	shalt  }
0x7a: {  	_ =	shalt  }
0x7b: {  	_ =	shalt  }
0x7c: {  	_ =	shalt  }
0x7d: {  	_ =	shalt  }
0x7e: {  	_ =	shalt  }
0x7f: {  	_ =	shalt  }
0x80: {  	_ =	shalt  }
0x81: {  	_ =	shalt  }
0x82: {  	_ =	shalt  }
0x83: {  	_ =	shalt  }
0x84: {  	_ =	shalt  }
0x85: {  	_ =	shalt  }
0x86: {  	_ =	shalt  }
0x87: {  	_ =	shalt  }
.Lfunc_end0:
.L_simem_size_0:
called_computation.1_lowered:
.L_overlay_start_0:
0x88: {  	s2 =	sld [smem:$0x3FD9]  }
0x89: {  	s3 =	sld [smem:$0x3FFE];
	_ =	sdelay $0x1  }
0x8a: {  	s1 =	srdreg.scid  }
0x8b: {  	s0 =	sand.u32 $0x1, s1  }
0x8c: {  	s17 =	sshll.u32 s0, $0xA;
	s2 =	sadd.s32 s3, s2  }
0x8d: {  	s2 =	sadd.s32 s2, s17  }
0x8e: {  	[smem:$0x3FC6] =	sst s2  }
0x8f: {  	_ = 	snop  }
0x90: {  	s2 =	sld [smem:$0x3FD0];
	(tm) =	ssettm $0x1  }
0x91: {  	s18 =	sld [smem:$0x3FFB];
	_ =	sdelay $0x3  }
0x92: {  	_ =	strace s18  }
0x93: {  	s3 =	sld [smem:$0x3FFC];
	_ =	sdelay $0x3  }
0x94: {  	_ =	strace s3  }
0x95: {  	s3 =	sld [smem:$0x3FFD];
	_ =	sdelay $0x3  }
0x96: {  	_ =	strace s3  }
0x97: {  	_ =	strace $0x8FFFFFFF  }
0x98: {  	s19 =	sld [smem:$0x3FDB];
	_ =	sdelay $0x1  }
0x99: {  	s4 =	simm.s32 $_scs_section_size  }
0x9a: {  	s5 =	simm.s32 $_size__tile_overlayer_lowered;
	s6 =	simm.s32 $_tile_overlayer_lowered  }
0x9b: {  	s22 =	simm.s32 $0x1BFF;
	s21 =	sshll.u32 s6, $0x1;
	s3 =	sadd.s32 s4, s19  }
0x9c: {  	s7 =	simm.s32 $0x0;
	s20 =	sshll.u32 s5, $0x1;
	s5 =	sadd.s32 s21, s3  }
0x9d: {  	[timem:s7], [sflag:s22] =	dma.local [hbm:s5], s20  }
0x9e: {  	_ =	swait.ge [sflag:s22], s20  }
0x9f: {  	s4 =	ssub.s32 $0x0, s20;
	[sflag:s22] =	ssyncset.done $0x0  }
0xa0: {  	[sflag:s22] =	ssyncadd.s32 s4;
	_ =	sdelay $0x1  }
0xa1: {  	s23 =	simm.s32 $0x1B8B  }
0xa2: {  	_ =	swait.ge [sflag:s23], $0x1  }
0xa3: {  	[sflag:s23] =	ssyncset.done $0x0  }
0xa4: {  	s25 =	simm.s32 $0x1B8E;
	s24 =	sld [smem:$0x3FFE];
	[sflag:s23] =	ssyncadd.s32 $0xFFFFFFFF  }
0xa5: {  	s26 =	simm.s32 $execute0_lowered;
	[smem:$0x3FD2] =	sst s25  }
0xa6: {  	s5 =	sshll.u32 s26, $0x1;
	_ =	strace $0x80000046;
	[dreg:$0x1] =	wrdreg $0xFFFFFFFF  }
0xa7: {  	s28 =	simm.s32 $_size_execute0_lowered;
	s3 =	sadd.s32 s3, s5;
	[dreg:$0x0] =	wrdreg $0x0  }
0xa8: {  	s5 =	sshll.u32 s28, $0x1;
	[dreg:$0x2] =	wrdreg s3  }
0xa9: {  	[dreg:$0x3] =	wrdreg s5  }
0xaa: {  	[dreg:$0x4] =	wrdreg $0xC0  }
0xab: {  	_ =	task [dreg:s7], $0x5FFFF  }
0xac: {  	[dreg:$0x1] =	wrdreg $0xFFFFFFFF  }
0xad: {  	[dreg:$0x0] =	wrdreg $0x60  }
0xae: {  	[dreg:$0x2] =	wrdreg s24  }
0xaf: {  	[dreg:$0x3] =	wrdreg s2  }
0xb0: {  	[dreg:$0x4] =	wrdreg $0x9  }
0xb1: {  	_ =	task.clear_ibuf [dreg:s7], $0x5FFFF;
	_ =	strace $0x90000046  }
0xb2: {  	s29 =	simm.s32 $0x9;
	_ =	strace $0x80000048  }
0xb3: {  	_ =	swait.ge [sflag:s29], $0x1  }
0xb4: {  	[sflag:s29] =	ssyncadd.s32 $0xFFFFFFFF  }
0xb5: {  	_ =	strace $0x90000048  }
0xb6: {  	_ =	sfence  }
0xb7: {  	s30 =	sld [smem:$0x0];
	_ =	sdelay $0x2  }
0xb8: {  	s31 =	sshll.u32 s1, $0xD;
	s1 =	sshrl.u32 s1, $0x2  }
0xb9: {  	s3 =	sand.u32 $0x4000, s31;
	s1 =	sadd.s32 s1, s30  }
0xba: {  	s0 =	sor.u32 s3, s0;
	s1 =	sshll.u32 s1, $0x11  }
0xbb: {  	s0 =	sor.u32 s1, s0  }
0xbc: {  	s0 =	sadd.s32 $0x8F2B, s0  }
0xbd: {  	[sflag:s0] =	ssyncadd.remote.s32 $0x1  }
0xbe: {  	_ =	sfence.sel $0xFFFF  }
0xbf: {  	[dreg:$0x0] =	wrdreg $0xFFFFFFFF;
	(pc) =	sbr.abs _section_cstart, $3  }
0xc0: {  	[dreg:$0x1] =	wrdreg $0xFFFFFFFF  }
0xc1: {  	_ =	task.clear_ibuf [dreg:s7], $0x2FFFF;
	_ =	strace $0x9FFFFFFF  }
0xc2: {  	(tm) =	ssettm $0x7FFFFFFF  }
0xc3: {  	_ =	shalt  }
tec
execute0_lowered:
.L_overlay_start_1:
0x0: {  	(tag) =	ssettag $0x1  }
0x1: {  	s0 =	srdreg.scid;
	s1 =	stileid.u32  }
0x2: {  	s4 =	rddreg [dreg:$0x1];
	s0 =	sand.u32 $0x1, s0;
	s2 =	sshll.u32 s1, $0x1  }
0x3: {  	s1 =	rddreg [dreg:$0x0];
	s3 =	sor.u32 s0, s2;
	s2 =	simm.s32 $0x0  }
0x4: {  	s11 =	simm.s32 $0x100;
	[smem:$0x7FF] =	sst s2  }
0x5: {  	s12 =	simm.s32 $0x180;
	_ =	strace $0x80000047;
	[dreg:$0xb] =	wrdreg s11  }
0x6: {  	s13 =	simm.s32 $0x200;
	[dreg:$0xc] =	wrdreg s12  }
0x7: {  	s14 =	simm.s32 $0x280;
	[dreg:$0xd] =	wrdreg s13  }
0x8: {  	s15 =	simm.s32 $0x300;
	[dreg:$0xe] =	wrdreg s14  }
0x9: {  	s16 =	simm.s32 $0x380;
	[dreg:$0xf] =	wrdreg s15  }
0xa: {  	s17 =	simm.s32 $0x400;
	[dreg:$0x10] =	wrdreg s16  }
0xb: {  	s18 =	simm.s32 $0x480;
	[dreg:$0x11] =	wrdreg s17  }
0xc: {  	s19 =	simm.s32 $0x500;
	[dreg:$0x12] =	wrdreg s18  }
0xd: {  	s20 =	simm.s32 $0x580;
	[dreg:$0x13] =	wrdreg s19  }
0xe: {  	s21 =	simm.s32 $0x600;
	[dreg:$0x14] =	wrdreg s20  }
0xf: {  	s22 =	simm.s32 $0x680;
	[dreg:$0x15] =	wrdreg s21  }
0x10: {  	s23 =	simm.s32 $0x700;
	[dreg:$0x16] =	wrdreg s22  }
0x11: {  	s24 =	simm.s32 $0x780;
	[dreg:$0x17] =	wrdreg s23  }
0x12: {  	s25 =	simm.s32 $0x800;
	[dreg:$0x18] =	wrdreg s24  }
0x13: {  	s26 =	simm.s32 $0x880;
	[dreg:$0x19] =	wrdreg s25  }
0x14: {  	[dreg:$0x1a] =	wrdreg s26;
	s11 =	simm.s32 $0xD00  }
0x15: {  	s12 =	simm.s32 $0xD80;
	[smem:$0x7B0] =	sst s11  }
0x16: {  	s13 =	simm.s32 $0xE00;
	[smem:$0x7B1] =	sst s12  }
0x17: {  	s14 =	simm.s32 $0xE80;
	[smem:$0x7B2] =	sst s13  }
0x18: {  	s15 =	simm.s32 $0xF00;
	[smem:$0x7B3] =	sst s14  }
0x19: {  	s16 =	simm.s32 $0xF80;
	[smem:$0x7B4] =	sst s15  }
0x1a: {  	s17 =	simm.s32 $0x1000;
	[smem:$0x7B5] =	sst s16  }
0x1b: {  	s18 =	simm.s32 $0x1080;
	[smem:$0x7B6] =	sst s17  }
0x1c: {  	s19 =	simm.s32 $0x1100;
	[smem:$0x7B7] =	sst s18  }
0x1d: {  	s20 =	simm.s32 $0x1180;
	[smem:$0x7B8] =	sst s19  }
0x1e: {  	s21 =	simm.s32 $0x1200;
	[smem:$0x7B9] =	sst s20  }
0x1f: {  	s22 =	simm.s32 $0x1280;
	[smem:$0x7BA] =	sst s21  }
0x20: {  	s23 =	simm.s32 $0x1300;
	[smem:$0x7BB] =	sst s22  }
0x21: {  	s24 =	simm.s32 $0x1380;
	[smem:$0x7BC] =	sst s23  }
0x22: {  	s25 =	simm.s32 $0x1400;
	[smem:$0x7BD] =	sst s24  }
0x23: {  	s26 =	simm.s32 $0x1480;
	[smem:$0x7BE] =	sst s25  }
0x24: {  	[smem:$0x7BF] =	sst s26;
	s11 =	simm.s32 $0x1900  }
0x25: {  	s12 =	simm.s32 $0x1980;
	[smem:$0x7C8] =	sst s11  }
0x26: {  	s13 =	simm.s32 $0x1A00;
	[smem:$0x7C9] =	sst s12  }
0x27: {  	s14 =	simm.s32 $0x1A80;
	[smem:$0x7CA] =	sst s13  }
0x28: {  	s15 =	simm.s32 $0x1B00;
	[smem:$0x7CB] =	sst s14  }
0x29: {  	s16 =	simm.s32 $0x1B80;
	[smem:$0x7CC] =	sst s15  }
0x2a: {  	s17 =	simm.s32 $0x1C00;
	[smem:$0x7CD] =	sst s16  }
0x2b: {  	s18 =	simm.s32 $0x1C80;
	[smem:$0x7CE] =	sst s17  }
0x2c: {  	s19 =	simm.s32 $0x1D00;
	[smem:$0x7CF] =	sst s18  }
0x2d: {  	s20 =	simm.s32 $0x1D80;
	[smem:$0x7D0] =	sst s19  }
0x2e: {  	s21 =	simm.s32 $0x1E00;
	[smem:$0x7D1] =	sst s20  }
0x2f: {  	s22 =	simm.s32 $0x1E80;
	[smem:$0x7D2] =	sst s21  }
0x30: {  	s5 =	smul.u32 $0x680, s3;
	s23 =	simm.s32 $0x1F00;
	[smem:$0x7D3] =	sst s22  }
0x31: {  	s6 =	smul.u32 $0x68000, s3;
	s24 =	simm.s32 $0x1F80;
	[smem:$0x7D4] =	sst s23  }
0x32: {  	s3 =	smul.u32 $0xD000, s3;
	s25 =	simm.s32 $0x2000;
	[smem:$0x7D5] =	sst s24  }
0x33: {  	s5 =	sadd.s32 s5, s1;
	s26 =	simm.s32 $0x2080;
	[smem:$0x7D6] =	sst s25  }
0x34: {  	s6 =	sshrl.u32 s6, $0x3;
	s5 =	sadd.s32 $0xC00, s5;
	[smem:$0x7D7] =	sst s26  }
0x35: {  	s6 =	sadd.s32 s4, s6;
	s4 =	sadd.s32 s4, s3;
	[dreg:$0x3] =	wrdreg s5  }
0x36: {  	s11 =	simm.s32 $0x2500;
	[smem:$0x7AC] =	sst s4  }
0x37: {  	s12 =	simm.s32 $0x2580;
	[smem:$0x7E0] =	sst s11  }
0x38: {  	s13 =	simm.s32 $0x2600;
	[smem:$0x7E1] =	sst s12  }
0x39: {  	s14 =	simm.s32 $0x2680;
	[smem:$0x7E2] =	sst s13  }
0x3a: {  	s15 =	simm.s32 $0x2700;
	[smem:$0x7E3] =	sst s14  }
0x3b: {  	s16 =	simm.s32 $0x2780;
	[smem:$0x7E4] =	sst s15  }
0x3c: {  	s17 =	simm.s32 $0x2800;
	[smem:$0x7E5] =	sst s16  }
0x3d: {  	s18 =	simm.s32 $0x2880;
	[smem:$0x7E6] =	sst s17  }
0x3e: {  	s20 =	simm.s32 $0x2900;
	[smem:$0x7E7] =	sst s18  }
0x3f: {  	s21 =	simm.s32 $0x2980;
	[smem:$0x7E8] =	sst s20  }
0x40: {  	s22 =	simm.s32 $0x2A00;
	[smem:$0x7E9] =	sst s21  }
0x41: {  	s23 =	simm.s32 $0x2A80;
	[smem:$0x7EA] =	sst s22  }
0x42: {  	s24 =	simm.s32 $0x2B00;
	[smem:$0x7EB] =	sst s23  }
0x43: {  	s25 =	simm.s32 $0x2B80;
	[smem:$0x7EC] =	sst s24  }
0x44: {  	s26 =	simm.s32 $0x2C00;
	[smem:$0x7ED] =	sst s25  }
0x45: {  	s29 =	sadd.s32 $0x9C00, s6;
	[smem:$0x7EE] =	sst s26  }
0x46: {  	s6 =	sadd.s32 $0xB600, s6;
	[dreg:$0x4] =	wrdreg s29  }
0x47: {  	s3 =	sadd.s32 $0x1A00, s4;
	[dreg:$0x5] =	wrdreg s6  }
0x48: {  	s7 =	sadd.s32 $0x3400, s4;
	[dreg:$0x6] =	wrdreg s3  }
0x49: {  	s8 =	sadd.s32 $0x4E00, s4;
	[dreg:$0x7] =	wrdreg s7  }
0x4a: {  	s9 =	sadd.s32 $0x6800, s4;
	[dreg:$0x8] =	wrdreg s8  }
0x4b: {  	s10 =	sadd.s32 $0x8200, s4;
	[dreg:$0x9] =	wrdreg s9  }
0x4c: {  	s4 =	simm.s32 $0x980;
	[dreg:$0xa] =	wrdreg s10  }
0x4d: {  	s5 =	simm.s32 $0xA00;
	[dreg:$0x1c] =	wrdreg s4  }
0x4e: {  	s11 =	simm.s32 $0x2F80;
	[dreg:$0x1d] =	wrdreg s5  }
0x4f: {  	s13 =	simm.s32 $0x3000;
	[smem:$0x7F5] =	sst s11  }
0x50: {  	s14 =	simm.s32 $0x3080;
	[smem:$0x7F6] =	sst s13  }
0x51: {  	s0 =	ssub.s32 $0x2, s0;
	s15 =	simm.s32 $0x3100;
	[smem:$0x7F7] =	sst s14  }
0x52: {  	s19 =	sshrl.u32 s0, $0x1;
	s16 =	simm.s32 $0x3180;
	[smem:$0x7F8] =	sst s15  }
0x53: {  	s0 =	ssub.s32 s0, s19;
	s19 =	simm.s32 $0x3200;
	[smem:$0x7F9] =	sst s16  }
0x54: {  	s20 =	simm.s32 $0x3280;
	[smem:$0x7FA] =	sst s19  }
0x55: {  	s21 =	simm.s32 $0x3300;
	[smem:$0x7FB] =	sst s20  }
0x56: {  	[smem:$0x7FC] =	sst s21  }
0x57: {  	s29 =	simm.s32 $0x900;
	s13 =	rddreg [dreg:$0x3]  }
0x58: {  	s6 =	simm.s32 $0xA80;
	[dreg:$0x1b] =	wrdreg s29  }
0x59: {  	s7 =	simm.s32 $0xB00;
	[dreg:$0x1e] =	wrdreg s6  }
0x5a: {  	s8 =	simm.s32 $0xB80;
	[dreg:$0x1f] =	wrdreg s7  }
0x5b: {  	s9 =	simm.s32 $0xC00;
	[smem:$0x7AD] =	sst s8  }
0x5c: {  	s10 =	simm.s32 $0xC80;
	[smem:$0x7AE] =	sst s9  }
0x5d: {  	s30 =	simm.s32 $0x11400;
	s4 =	simm.s32 $0x1580;
	[smem:$0x7AF] =	sst s10  }
0x5e: {  	s31 =	simm.s32 $0x12400;
	s5 =	simm.s32 $0x1600;
	[smem:$0x7C1] =	sst s4  }
0x5f: {  	s28 =	simm.s32 $0x14400;
	s29 =	simm.s32 $0x1500;
	[smem:$0x7C2] =	sst s5  }
0x60: {  	p0 =	por $0x0, $0x0;
	s6 =	simm.s32 $0x1680;
	[smem:$0x7C0] =	sst s29  }
0x61: {  	s12 =	simm.s32 $0x4400;
	s7 =	simm.s32 $0x1700;
	[smem:$0x7C3] =	sst s6  }
0x62: {  	s18 =	simm.s32 $0x7400;
	s8 =	simm.s32 $0x1780;
	[smem:$0x7C4] =	sst s7  }
0x63: {  	s22 =	simm.s32 $0x8400;
	s9 =	simm.s32 $0x1800;
	[smem:$0x7C5] =	sst s8  }
0x64: {  	s24 =	simm.s32 $0x9400;
	s10 =	simm.s32 $0x1880;
	[smem:$0x7C6] =	sst s9  }
0x65: {  	s17 =	simm.s32 $0xA400;
	s4 =	simm.s32 $0x2180;
	[smem:$0x7C7] =	sst s10  }
0x66: {  	s23 =	simm.s32 $0xB400;
	s5 =	simm.s32 $0x2200;
	[smem:$0x7D9] =	sst s4  }
0x67: {  	s26 =	simm.s32 $0xC400;
	s29 =	simm.s32 $0x2100;
	[smem:$0x7DA] =	sst s5  }
0x68: {  	s25 =	simm.s32 $0x10400;
	s6 =	simm.s32 $0x2280;
	[smem:$0x7D8] =	sst s29  }
0x69: {  	s3 =	sadd.s32 $0xF43000, s1;
	s7 =	simm.s32 $0x2300;
	[smem:$0x7DB] =	sst s6  }
0x6a: {  	s1 =	smax.u32 s0, $0x1;
	s8 =	simm.s32 $0x2380;
	[smem:$0x7DC] =	sst s7  }
0x6b: {  	s11 =	simm.s32 $0x18400;
	s9 =	simm.s32 $0x2400;
	[smem:$0x7DD] =	sst s8  }
0x6c: {  	s0 =	simm.s32 $0x1A400;
	s10 =	simm.s32 $0x2480;
	[smem:$0x7DE] =	sst s9  }
0x6d: {  	s19 =	simm.s32 $0x1;
	s4 =	simm.s32 $0x2D00;
	[smem:$0x7DF] =	sst s10  }
0x6e: {  	s14 =	simm.s32 $0x2;
	s29 =	simm.s32 $0x2C80;
	[smem:$0x7F0] =	sst s4  }
0x6f: {  	p1 =	sne.s32 s1, $0x1;
	s6 =	simm.s32 $0x2D80;
	[smem:$0x7EF] =	sst s29  }
0x70: {  	s21 =	sadd.s32 $0xFFFFFFFF, s1;
	s8 =	simm.s32 $0x2E00;
	[smem:$0x7F1] =	sst s6  }
.Ltmp0:
0x71: {  	s9 =	simm.s32 $0x2E80;
	[smem:$0x7F2] =	sst s8;
	(pc) =	sbr.rel @!p1 .LBB2_1-.Ltmp0, $4  }
0x72: {  	s1 =	simm.s32 $0x19400;
	s10 =	simm.s32 $0x2F00;
	[smem:$0x7F3] =	sst s9  }
0x73: {  	s5 =	simm.s32 $0x80;
	s7 =	simm.s32 $0x3400;
	[smem:$0x7F4] =	sst s10  }
0x74: {  	s6 =	simm.s32 $0xD400;
	s9 =	simm.s32 $0xE400;
	s29 =	simm.s32 $0x3380  }
0x75: {  	s10 =	simm.s32 $0x3;
	s8 =	simm.s32 $0x4;
	[smem:$0x7FD] =	sst s29  }
0x76: {  	[tilespmem:s2], [sflag:$0x5] =	stream.linear.gather [hbm4b:s13+s2], $0x3400, $0x38;
	[tilespmem:$0x1D400] =	vst v63  }
0x77: {  	s4 =	simm.s32 $0x5  }
0x78: {  	_ =	swait.ge [sflag:s4], $0x3400  }
0x79: {  	[sflag:s4] =	ssyncset.done $0x0  }
0x7a: {  	s13 =	rddreg [dreg:$0xb];
	[sflag:s4] =	ssyncadd.s32 $0xFFFFCC00  }
0x7b: {  	[tilespmem:s7], [sflag:$0x1] =	stream.indirect.gather [hbm4b:s3+s5], $0x20, s2, s5, $0xb8;
	[tilespmem:$0x1D400] =	vst v63  }
0x7c: {  	[smem:$0x7AB] =	sst s21  }
0x7d: {  	[tilespmem:s12], [sflag:$0x1] =	stream.indirect.gather [hbm4b:s3+s5], $0x20, s5, s5, $0xb8;
	[tilespmem:$0x1D400] =	vst v63  }
0x7e: {  	s15 =	simm.s32 $0x5400;
	s21 =	rddreg [dreg:$0x18]  }
0x7f: {  	[tilespmem:s15], [sflag:$0x1] =	stream.indirect.gather [hbm4b:s3+s5], $0x20, s13, s5, $0xb8;
	[tilespmem:$0x1D400] =	vst v63  }
0x80: {  	s12 =	rddreg [dreg:$0xc];
	s15 =	simm.s32 $0x6400  }
0x81: {  	[tilespmem:s15], [sflag:$0x1] =	stream.indirect.gather [hbm4b:s3+s5], $0x20, s12, s5, $0xb8;
	[tilespmem:$0x1D400] =	vst v63  }
0x82: {  	s13 =	rddreg [dreg:$0xd]  }
0x83: {  	[tilespmem:s18], [sflag:$0x1] =	stream.indirect.gather [hbm4b:s3+s5], $0x20, s13, s5, $0xb8;
	[tilespmem:$0x1D400] =	vst v63  }
0x84: {  	s15 =	rddreg [dreg:$0xe]  }
0x85: {  	[tilespmem:s22], [sflag:$0x1] =	stream.indirect.gather [hbm4b:s3+s5], $0x20, s15, s5, $0xb8;
	[tilespmem:$0x1D400] =	vst v63  }
0x86: {  	s18 =	rddreg [dreg:$0xf]  }
0x87: {  	[tilespmem:s24], [sflag:$0x1] =	stream.indirect.gather [hbm4b:s3+s5], $0x20, s18, s5, $0xb8;
	[tilespmem:$0x1D400] =	vst v63  }
0x88: {  	s22 =	rddreg [dreg:$0x10]  }
0x89: {  	[tilespmem:s17], [sflag:$0x1] =	stream.indirect.gather [hbm4b:s3+s5], $0x20, s22, s5, $0xb8;
	[tilespmem:$0x1D400] =	vst v63  }
0x8a: {  	s15 =	rddreg [dreg:$0x11]  }
0x8b: {  	[tilespmem:s23], [sflag:$0x1] =	stream.indirect.gather [hbm4b:s3+s5], $0x20, s15, s5, $0xb8;
	[tilespmem:$0x1D400] =	vst v63  }
0x8c: {  	s18 =	rddreg [dreg:$0x12]  }
0x8d: {  	[tilespmem:s26], [sflag:$0x1] =	stream.indirect.gather [hbm4b:s3+s5], $0x20, s18, s5, $0xb8;
	[tilespmem:$0x1D400] =	vst v63  }
0x8e: {  	s22 =	rddreg [dreg:$0x13]  }
0x8f: {  	[tilespmem:s6], [sflag:$0x1] =	stream.indirect.gather [hbm4b:s3+s5], $0x20, s22, s5, $0xb8;
	[tilespmem:$0x1D400] =	vst v63  }
0x90: {  	s23 =	rddreg [dreg:$0x14]  }
0x91: {  	[tilespmem:s9], [sflag:$0x1] =	stream.indirect.gather [hbm4b:s3+s5], $0x20, s23, s5, $0xb8;
	[tilespmem:$0x1D400] =	vst v63  }
0x92: {  	s24 =	rddreg [dreg:$0x15];
	s9 =	simm.s32 $0xF400  }
0x93: {  	[tilespmem:s9], [sflag:$0x1] =	stream.indirect.gather [hbm4b:s3+s5], $0x20, s24, s5, $0xb8;
	[tilespmem:$0x1D400] =	vst v63  }
0x94: {  	s26 =	rddreg [dreg:$0x16]  }
0x95: {  	[tilespmem:s25], [sflag:$0x2] =	stream.indirect.gather [hbm4b:s3+s5], $0x20, s26, s5, $0xb8;
	[tilespmem:$0x1D400] =	vst v63  }
0x96: {  	s18 =	rddreg [dreg:$0x17]  }
0x97: {  	[tilespmem:s30], [sflag:$0x2] =	stream.indirect.gather [hbm4b:s3+s5], $0x20, s18, s5, $0xb8;
	[tilespmem:$0x1D400] =	vst v63  }
0x98: {  	s12 =	rddreg [dreg:$0x1c]  }
0x99: {  	[tilespmem:s31], [sflag:$0x2] =	stream.indirect.gather [hbm4b:s3+s5], $0x20, s21, s5, $0xb8;
	[tilespmem:$0x1D400] =	vst v63  }
0x9a: {  	s23 =	rddreg [dreg:$0x19];
	s30 =	simm.s32 $0x13400  }
0x9b: {  	[tilespmem:s30], [sflag:$0x2] =	stream.indirect.gather [hbm4b:s3+s5], $0x20, s23, s5, $0xb8;
	[tilespmem:$0x1D400] =	vst v63  }
0x9c: {  	s26 =	rddreg [dreg:$0x1a]  }
0x9d: {  	[tilespmem:s28], [sflag:$0x2] =	stream.indirect.gather [hbm4b:s3+s5], $0x20, s26, s5, $0xb8;
	[tilespmem:$0x1D400] =	vst v63  }
0x9e: {  	s13 =	rddreg [dreg:$0x1b];
	s30 =	simm.s32 $0x15400  }
0x9f: {  	[tilespmem:s30], [sflag:$0x2] =	stream.indirect.gather [hbm4b:s3+s5], $0x20, s13, s5, $0xb8;
	[tilespmem:$0x1D400] =	vst v63  }
0xa0: {  	s20 =	simm.s32 $0x16400;
	s13 =	rddreg [dreg:$0x1d]  }
0xa1: {  	[tilespmem:s20], [sflag:$0x2] =	stream.indirect.gather [hbm4b:s3+s5], $0x20, s12, s5, $0xb8;
	[tilespmem:$0x1D400] =	vst v63  }
0xa2: {  	s29 =	simm.s32 $0x17400;
	s12 =	rddreg [dreg:$0x1e]  }
0xa3: {  	[tilespmem:s29], [sflag:$0x2] =	stream.indirect.gather [hbm4b:s3+s5], $0x20, s13, s5, $0xb8;
	[tilespmem:$0x1D400] =	vst v63  }
0xa4: {  	s13 =	rddreg [dreg:$0x1f]  }
0xa5: {  	[tilespmem:s11], [sflag:$0x2] =	stream.indirect.gather [hbm4b:s3+s5], $0x20, s12, s5, $0xb8;
	[tilespmem:$0x1D400] =	vst v63  }
0xa6: {  	s12 =	sld [smem:$0x7AD]  }
0xa7: {  	[tilespmem:s1], [sflag:$0x2] =	stream.indirect.gather [hbm4b:s3+s5], $0x20, s13, s5, $0xb8;
	[tilespmem:$0x1D400] =	vst v63  }
0xa8: {  	s13 =	sld [smem:$0x7AE]  }
0xa9: {  	[tilespmem:s0], [sflag:$0x2] =	stream.indirect.gather [hbm4b:s3+s5], $0x20, s12, s5, $0xb8;
	[tilespmem:$0x1D400] =	vst v63  }
0xaa: {  	s16 =	simm.s32 $0x1B400;
	s12 =	sld [smem:$0x7AF]  }
0xab: {  	[tilespmem:s16], [sflag:$0x2] =	stream.indirect.gather [hbm4b:s3+s5], $0x20, s13, s5, $0xb8;
	[tilespmem:$0x1D400] =	vst v63  }
0xac: {  	s4 =	simm.s32 $0x1C400  }
0xad: {  	[tilespmem:s4], [sflag:$0x2] =	stream.indirect.gather [hbm4b:s3+s5], $0x20, s12, s5, $0xb8;
	[tilespmem:$0x1D400] =	vst v63  }
0xae: {  	_ =	swait.ge [sflag:s19], $0xD000  }
0xaf: {  	s4 =	sld [smem:$0x7AC]  }
0xb0: {  	[sflag:s19] =	ssyncset.done $0x0  }
0xb1: {  	[sflag:s19] =	ssyncadd.s32 $0xFFFF3000  }
0xb2: {  	[hbm4b:s4+s2] =	stream.linear.scatter [tilespmem:s7], [sflag:$0x3], $0xD000, $0x38;
	[tilespmem:$0x1D400] =	vst v63  }
0xb3: {  	_ =	swait.ge [sflag:s14], $0xD000  }
0xb4: {  	[sflag:s14] =	ssyncset.done $0x0  }
0xb5: {  	s13 =	rddreg [dreg:$0x6];
	[sflag:s14] =	ssyncadd.s32 $0xFFFF3000  }
0xb6: {  	[hbm4b:s13+s2] =	stream.linear.scatter [tilespmem:s25], [sflag:$0x4], $0xD000, $0x38;
	[tilespmem:$0x1D400] =	vst v63  }
0xb7: {  	_ =	swait.ge [sflag:s10], $0xD000  }
0xb8: {  	s4 =	sld [smem:$0x7B0]  }
0xb9: {  	[sflag:s10] =	ssyncset.done $0x0  }
0xba: {  	s13 =	sld [smem:$0x7B1];
	[sflag:s10] =	ssyncadd.s32 $0xFFFF3000  }
0xbb: {  	[tilespmem:s7], [sflag:$0x1] =	stream.indirect.gather [hbm4b:s3+s5], $0x20, s4, s5, $0xb8;
	[tilespmem:$0x1D400] =	vst v63  }
0xbc: {  	s12 =	sld [smem:$0x7B2];
	s4 =	simm.s32 $0x4400  }
0xbd: {  	[tilespmem:s4], [sflag:$0x1] =	stream.indirect.gather [hbm4b:s3+s5], $0x20, s13, s5, $0xb8;
	[tilespmem:$0x1D400] =	vst v63  }
0xbe: {  	s17 =	simm.s32 $0x5400;
	s13 =	sld [smem:$0x7B3]  }
0xbf: {  	[tilespmem:s17], [sflag:$0x1] =	stream.indirect.gather [hbm4b:s3+s5], $0x20, s12, s5, $0xb8;
	[tilespmem:$0x1D400] =	vst v63  }
0xc0: {  	s24 =	simm.s32 $0x6400;
	s17 =	sld [smem:$0x7B4]  }
0xc1: {  	[tilespmem:s24], [sflag:$0x1] =	stream.indirect.gather [hbm4b:s3+s5], $0x20, s13, s5, $0xb8;
	[tilespmem:$0x1D400] =	vst v63  }
0xc2: {  	s23 =	simm.s32 $0x7400;
	s24 =	sld [smem:$0x7B5]  }
0xc3: {  	[tilespmem:s23], [sflag:$0x1] =	stream.indirect.gather [hbm4b:s3+s5], $0x20, s17, s5, $0xb8;
	[tilespmem:$0x1D400] =	vst v63  }
0xc4: {  	s15 =	simm.s32 $0x8400;
	s17 =	sld [smem:$0x7B6]  }
0xc5: {  	[tilespmem:s15], [sflag:$0x1] =	stream.indirect.gather [hbm4b:s3+s5], $0x20, s24, s5, $0xb8;
	[tilespmem:$0x1D400] =	vst v63  }
0xc6: {  	s6 =	simm.s32 $0x9400;
	s24 =	sld [smem:$0x7B7]  }
0xc7: {  	[tilespmem:s6], [sflag:$0x1] =	stream.indirect.gather [hbm4b:s3+s5], $0x20, s17, s5, $0xb8;
	[tilespmem:$0x1D400] =	vst v63  }
0xc8: {  	s15 =	sld [smem:$0x7B8];
	s6 =	simm.s32 $0xA400  }
0xc9: {  	[tilespmem:s6], [sflag:$0x1] =	stream.indirect.gather [hbm4b:s3+s5], $0x20, s24, s5, $0xb8;
	[tilespmem:$0x1D400] =	vst v63  }
0xca: {  	s22 =	simm.s32 $0xB400;
	s17 =	sld [smem:$0x7B9]  }
0xcb: {  	[tilespmem:s22], [sflag:$0x1] =	stream.indirect.gather [hbm4b:s3+s5], $0x20, s15, s5, $0xb8;
	[tilespmem:$0x1D400] =	vst v63  }
0xcc: {  	s21 =	simm.s32 $0xC400;
	s22 =	sld [smem:$0x7BA]  }
0xcd: {  	[tilespmem:s21], [sflag:$0x1] =	stream.indirect.gather [hbm4b:s3+s5], $0x20, s17, s5, $0xb8;
	[tilespmem:$0x1D400] =	vst v63  }
0xce: {  	s9 =	simm.s32 $0xD400;
	s24 =	sld [smem:$0x7BB]  }
0xcf: {  	[tilespmem:s9], [sflag:$0x1] =	stream.indirect.gather [hbm4b:s3+s5], $0x20, s22, s5, $0xb8;
	[tilespmem:$0x1D400] =	vst v63  }
0xd0: {  	s18 =	simm.s32 $0xE400;
	s9 =	sld [smem:$0x7BC]  }
0xd1: {  	[tilespmem:s18], [sflag:$0x1] =	stream.indirect.gather [hbm4b:s3+s5], $0x20, s24, s5, $0xb8;
	[tilespmem:$0x1D400] =	vst v63  }
0xd2: {  	s13 =	simm.s32 $0xF400  }
0xd3: {  	[tilespmem:s13], [sflag:$0x1] =	stream.indirect.gather [hbm4b:s3+s5], $0x20, s9, s5, $0xb8;
	[tilespmem:$0x1D400] =	vst v63  }
0xd4: {  	_ =	swait.ge [sflag:s8], $0xD000  }
0xd5: {  	s17 =	sld [smem:$0x7BD]  }
0xd6: {  	[sflag:s8] =	ssyncset.done $0x0  }
0xd7: {  	s18 =	sld [smem:$0x7BE];
	[sflag:s8] =	ssyncadd.s32 $0xFFFF3000  }
0xd8: {  	[tilespmem:s25], [sflag:$0x2] =	stream.indirect.gather [hbm4b:s3+s5], $0x20, s17, s5, $0xb8;
	[tilespmem:$0x1D400] =	vst v63  }
0xd9: {  	s26 =	simm.s32 $0x11400;
	s24 =	sld [smem:$0x7BF]  }
0xda: {  	[tilespmem:s26], [sflag:$0x2] =	stream.indirect.gather [hbm4b:s3+s5], $0x20, s18, s5, $0xb8;
	[tilespmem:$0x1D400] =	vst v63  }
0xdb: {  	s17 =	sld [smem:$0x7C0]  }
0xdc: {  	[tilespmem:s31], [sflag:$0x2] =	stream.indirect.gather [hbm4b:s3+s5], $0x20, s24, s5, $0xb8;
	[tilespmem:$0x1D400] =	vst v63  }
0xdd: {  	s18 =	simm.s32 $0x13400;
	s24 =	sld [smem:$0x7C1]  }
0xde: {  	[tilespmem:s18], [sflag:$0x2] =	stream.indirect.gather [hbm4b:s3+s5], $0x20, s17, s5, $0xb8;
	[tilespmem:$0x1D400] =	vst v63  }
0xdf: {  	s28 =	simm.s32 $0x14400;
	s26 =	sld [smem:$0x7C2]  }
0xe0: {  	[tilespmem:s28], [sflag:$0x2] =	stream.indirect.gather [hbm4b:s3+s5], $0x20, s24, s5, $0xb8;
	[tilespmem:$0x1D400] =	vst v63  }
0xe1: {  	s30 =	simm.s32 $0x15400;
	s28 =	sld [smem:$0x7C3]  }
0xe2: {  	[tilespmem:s30], [sflag:$0x2] =	stream.indirect.gather [hbm4b:s3+s5], $0x20, s26, s5, $0xb8;
	[tilespmem:$0x1D400] =	vst v63  }
0xe3: {  	s20 =	simm.s32 $0x16400;
	s30 =	sld [smem:$0x7C4]  }
0xe4: {  	[tilespmem:s20], [sflag:$0x2] =	stream.indirect.gather [hbm4b:s3+s5], $0x20, s28, s5, $0xb8;
	[tilespmem:$0x1D400] =	vst v63  }
0xe5: {  	s29 =	simm.s32 $0x17400;
	s20 =	sld [smem:$0x7C5]  }
0xe6: {  	[tilespmem:s29], [sflag:$0x2] =	stream.indirect.gather [hbm4b:s3+s5], $0x20, s30, s5, $0xb8;
	[tilespmem:$0x1D400] =	vst v63  }
0xe7: {  	s26 =	sld [smem:$0x7C6]  }
0xe8: {  	[tilespmem:s11], [sflag:$0x2] =	stream.indirect.gather [hbm4b:s3+s5], $0x20, s20, s5, $0xb8;
	[tilespmem:$0x1D400] =	vst v63  }
0xe9: {  	s28 =	sld [smem:$0x7C7]  }
0xea: {  	[tilespmem:s1], [sflag:$0x2] =	stream.indirect.gather [hbm4b:s3+s5], $0x20, s26, s5, $0xb8;
	[tilespmem:$0x1D400] =	vst v63  }
0xeb: {  	s30 =	sld [smem:$0x7C8]  }
0xec: {  	[tilespmem:s0], [sflag:$0x2] =	stream.indirect.gather [hbm4b:s3+s5], $0x20, s28, s5, $0xb8;
	[tilespmem:$0x1D400] =	vst v63  }
0xed: {  	s16 =	simm.s32 $0x1B400;
	s20 =	sld [smem:$0x7C9]  }
0xee: {  	[tilespmem:s16], [sflag:$0x2] =	stream.indirect.gather [hbm4b:s3+s5], $0x20, s30, s5, $0xb8;
	[tilespmem:$0x1D400] =	vst v63  }
0xef: {  	s26 =	simm.s32 $0x1C400  }
0xf0: {  	[tilespmem:s26], [sflag:$0x2] =	stream.indirect.gather [hbm4b:s3+s5], $0x20, s20, s5, $0xb8;
	[tilespmem:$0x1D400] =	vst v63  }
0xf1: {  	_ =	swait.ge [sflag:s19], $0xD000  }
0xf2: {  	[sflag:s19] =	ssyncset.done $0x0  }
0xf3: {  	s28 =	rddreg [dreg:$0x7];
	[sflag:s19] =	ssyncadd.s32 $0xFFFF3000  }
0xf4: {  	[hbm4b:s28+s2] =	stream.linear.scatter [tilespmem:s7], [sflag:$0x3], $0xD000, $0x38;
	[tilespmem:$0x1D400] =	vst v63  }
0xf5: {  	_ =	swait.ge [sflag:s14], $0xD000  }
0xf6: {  	[sflag:s14] =	ssyncset.done $0x0  }
0xf7: {  	s30 =	rddreg [dreg:$0x8];
	[sflag:s14] =	ssyncadd.s32 $0xFFFF3000  }
0xf8: {  	[hbm4b:s30+s2] =	stream.linear.scatter [tilespmem:s25], [sflag:$0x4], $0xD000, $0x38;
	[tilespmem:$0x1D400] =	vst v63  }
0xf9: {  	_ =	swait.ge [sflag:s10], $0xD000  }
0xfa: {  	s13 =	sld [smem:$0x7CA]  }
0xfb: {  	[sflag:s10] =	ssyncset.done $0x0  }
0xfc: {  	s16 =	sld [smem:$0x7CB];
	[sflag:s10] =	ssyncadd.s32 $0xFFFF3000  }
0xfd: {  	[tilespmem:s7], [sflag:$0x1] =	stream.indirect.gather [hbm4b:s3+s5], $0x20, s13, s5, $0xb8;
	[tilespmem:$0x1D400] =	vst v63  }
0xfe: {  	s20 =	sld [smem:$0x7CC]  }
0xff: {  	[tilespmem:s4], [sflag:$0x1] =	stream.indirect.gather [hbm4b:s3+s5], $0x20, s16, s5, $0xb8;
	[tilespmem:$0x1D400] =	vst v63  }
0x100: {  	s30 =	simm.s32 $0x5400;
	s28 =	sld [smem:$0x7CD]  }
0x101: {  	[tilespmem:s30], [sflag:$0x1] =	stream.indirect.gather [hbm4b:s3+s5], $0x20, s20, s5, $0xb8;
	[tilespmem:$0x1D400] =	vst v63  }
0x102: {  	s12 =	sld [smem:$0x7CE];
	s20 =	simm.s32 $0x6400  }
0x103: {  	[tilespmem:s20], [sflag:$0x1] =	stream.indirect.gather [hbm4b:s3+s5], $0x20, s28, s5, $0xb8;
	[tilespmem:$0x1D400] =	vst v63  }
0x104: {  	s30 =	simm.s32 $0x7400;
	s28 =	sld [smem:$0x7CF]  }
0x105: {  	[tilespmem:s30], [sflag:$0x1] =	stream.indirect.gather [hbm4b:s3+s5], $0x20, s12, s5, $0xb8;
	[tilespmem:$0x1D400] =	vst v63  }
0x106: {  	s23 =	simm.s32 $0x8400;
	s16 =	sld [smem:$0x7D0]  }
0x107: {  	[tilespmem:s23], [sflag:$0x1] =	stream.indirect.gather [hbm4b:s3+s5], $0x20, s28, s5, $0xb8;
	[tilespmem:$0x1D400] =	vst v63  }
0x108: {  	s30 =	simm.s32 $0x9400;
	s28 =	sld [smem:$0x7D1]  }
0x109: {  	[tilespmem:s30], [sflag:$0x1] =	stream.indirect.gather [hbm4b:s3+s5], $0x20, s16, s5, $0xb8;
	[tilespmem:$0x1D400] =	vst v63  }
0x10a: {  	s23 =	sld [smem:$0x7D2]  }
0x10b: {  	[tilespmem:s6], [sflag:$0x1] =	stream.indirect.gather [hbm4b:s3+s5], $0x20, s28, s5, $0xb8;
	[tilespmem:$0x1D400] =	vst v63  }
0x10c: {  	s15 =	simm.s32 $0xB400;
	s28 =	sld [smem:$0x7D3]  }
0x10d: {  	[tilespmem:s15], [sflag:$0x1] =	stream.indirect.gather [hbm4b:s3+s5], $0x20, s23, s5, $0xb8;
	[tilespmem:$0x1D400] =	vst v63  }
0x10e: {  	s21 =	simm.s32 $0xC400;
	s16 =	sld [smem:$0x7D4]  }
0x10f: {  	[tilespmem:s21], [sflag:$0x1] =	stream.indirect.gather [hbm4b:s3+s5], $0x20, s28, s5, $0xb8;
	[tilespmem:$0x1D400] =	vst v63  }
0x110: {  	s23 =	sld [smem:$0x7D5];
	s28 =	simm.s32 $0xD400  }
0x111: {  	[tilespmem:s28], [sflag:$0x1] =	stream.indirect.gather [hbm4b:s3+s5], $0x20, s16, s5, $0xb8;
	[tilespmem:$0x1D400] =	vst v63  }
0x112: {  	s22 =	simm.s32 $0xE400;
	s16 =	sld [smem:$0x7D6]  }
0x113: {  	[tilespmem:s22], [sflag:$0x1] =	stream.indirect.gather [hbm4b:s3+s5], $0x20, s23, s5, $0xb8;
	[tilespmem:$0x1D400] =	vst v63  }
0x114: {  	s22 =	simm.s32 $0xF400  }
0x115: {  	[tilespmem:s22], [sflag:$0x1] =	stream.indirect.gather [hbm4b:s3+s5], $0x20, s16, s5, $0xb8;
	[tilespmem:$0x1D400] =	vst v63  }
0x116: {  	_ =	swait.ge [sflag:s8], $0xD000  }
0x117: {  	s23 =	sld [smem:$0x7D7]  }
0x118: {  	[sflag:s8] =	ssyncset.done $0x0  }
0x119: {  	s28 =	sld [smem:$0x7D8];
	[sflag:s8] =	ssyncadd.s32 $0xFFFF3000  }
0x11a: {  	[tilespmem:s25], [sflag:$0x2] =	stream.indirect.gather [hbm4b:s3+s5], $0x20, s23, s5, $0xb8;
	[tilespmem:$0x1D400] =	vst v63  }
0x11b: {  	s9 =	simm.s32 $0x11400;
	s16 =	sld [smem:$0x7D9]  }
0x11c: {  	[tilespmem:s9], [sflag:$0x2] =	stream.indirect.gather [hbm4b:s3+s5], $0x20, s28, s5, $0xb8;
	[tilespmem:$0x1D400] =	vst v63  }
0x11d: {  	s22 =	sld [smem:$0x7DA]  }
0x11e: {  	[tilespmem:s31], [sflag:$0x2] =	stream.indirect.gather [hbm4b:s3+s5], $0x20, s16, s5, $0xb8;
	[tilespmem:$0x1D400] =	vst v63  }
0x11f: {  	s23 =	sld [smem:$0x7DB]  }
0x120: {  	[tilespmem:s18], [sflag:$0x2] =	stream.indirect.gather [hbm4b:s3+s5], $0x20, s22, s5, $0xb8;
	[tilespmem:$0x1D400] =	vst v63  }
0x121: {  	s24 =	simm.s32 $0x14400;
	s9 =	sld [smem:$0x7DC]  }
0x122: {  	[tilespmem:s24], [sflag:$0x2] =	stream.indirect.gather [hbm4b:s3+s5], $0x20, s23, s5, $0xb8;
	[tilespmem:$0x1D400] =	vst v63  }
0x123: {  	s12 =	sld [smem:$0x7DD];
	s22 =	simm.s32 $0x15400  }
0x124: {  	[tilespmem:s22], [sflag:$0x2] =	stream.indirect.gather [hbm4b:s3+s5], $0x20, s9, s5, $0xb8;
	[tilespmem:$0x1D400] =	vst v63  }
0x125: {  	s17 =	simm.s32 $0x16400;
	s23 =	sld [smem:$0x7DE]  }
0x126: {  	[tilespmem:s17], [sflag:$0x2] =	stream.indirect.gather [hbm4b:s3+s5], $0x20, s12, s5, $0xb8;
	[tilespmem:$0x1D400] =	vst v63  }
0x127: {  	s29 =	simm.s32 $0x17400;
	s17 =	sld [smem:$0x7DF]  }
0x128: {  	[tilespmem:s29], [sflag:$0x2] =	stream.indirect.gather [hbm4b:s3+s5], $0x20, s23, s5, $0xb8;
	[tilespmem:$0x1D400] =	vst v63  }
0x129: {  	s23 =	sld [smem:$0x7E0]  }
0x12a: {  	[tilespmem:s11], [sflag:$0x2] =	stream.indirect.gather [hbm4b:s3+s5], $0x20, s17, s5, $0xb8;
	[tilespmem:$0x1D400] =	vst v63  }
0x12b: {  	s29 =	sld [smem:$0x7E1]  }
0x12c: {  	[tilespmem:s1], [sflag:$0x2] =	stream.indirect.gather [hbm4b:s3+s5], $0x20, s23, s5, $0xb8;
	[tilespmem:$0x1D400] =	vst v63  }
0x12d: {  	s17 =	sld [smem:$0x7E2]  }
0x12e: {  	[tilespmem:s0], [sflag:$0x2] =	stream.indirect.gather [hbm4b:s3+s5], $0x20, s29, s5, $0xb8;
	[tilespmem:$0x1D400] =	vst v63  }
0x12f: {  	s23 =	simm.s32 $0x1B400;
	s29 =	sld [smem:$0x7E3]  }
0x130: {  	[tilespmem:s23], [sflag:$0x2] =	stream.indirect.gather [hbm4b:s3+s5], $0x20, s17, s5, $0xb8;
	[tilespmem:$0x1D400] =	vst v63  }
0x131: {  	s26 =	simm.s32 $0x1C400  }
0x132: {  	[tilespmem:s26], [sflag:$0x2] =	stream.indirect.gather [hbm4b:s3+s5], $0x20, s29, s5, $0xb8;
	[tilespmem:$0x1D400] =	vst v63  }
0x133: {  	_ =	swait.ge [sflag:s19], $0xD000  }
0x134: {  	[sflag:s19] =	ssyncset.done $0x0  }
0x135: {  	s29 =	rddreg [dreg:$0x9];
	[sflag:s19] =	ssyncadd.s32 $0xFFFF3000  }
0x136: {  	[hbm4b:s29+s2] =	stream.linear.scatter [tilespmem:s7], [sflag:$0x3], $0xD000, $0x38;
	[tilespmem:$0x1D400] =	vst v63  }
0x137: {  	_ =	swait.ge [sflag:s14], $0xD000  }
0x138: {  	[sflag:s14] =	ssyncset.done $0x0  }
0x139: {  	s13 =	rddreg [dreg:$0xa];
	[sflag:s14] =	ssyncadd.s32 $0xFFFF3000  }
0x13a: {  	[hbm4b:s13+s2] =	stream.linear.scatter [tilespmem:s25], [sflag:$0x4], $0xD000, $0x38;
	[tilespmem:$0x1D400] =	vst v63  }
0x13b: {  	_ =	swait.ge [sflag:s10], $0xD000  }
0x13c: {  	s26 =	sld [smem:$0x7E4]  }
0x13d: {  	[sflag:s10] =	ssyncset.done $0x0  }
0x13e: {  	s29 =	sld [smem:$0x7E5];
	[sflag:s10] =	ssyncadd.s32 $0xFFFF3000  }
0x13f: {  	[tilespmem:s7], [sflag:$0x1] =	stream.indirect.gather [hbm4b:s3+s5], $0x20, s26, s5, $0xb8;
	[tilespmem:$0x1D400] =	vst v63  }
0x140: {  	s4 =	simm.s32 $0x4400;
	s26 =	sld [smem:$0x7E6]  }
0x141: {  	[tilespmem:s4], [sflag:$0x1] =	stream.indirect.gather [hbm4b:s3+s5], $0x20, s29, s5, $0xb8;
	[tilespmem:$0x1D400] =	vst v63  }
0x142: {  	s13 =	sld [smem:$0x7E7];
	s29 =	simm.s32 $0x5400  }
0x143: {  	[tilespmem:s29], [sflag:$0x1] =	stream.indirect.gather [hbm4b:s3+s5], $0x20, s26, s5, $0xb8;
	[tilespmem:$0x1D400] =	vst v63  }
0x144: {  	s12 =	sld [smem:$0x7E8];
	s26 =	simm.s32 $0x6400  }
0x145: {  	[tilespmem:s26], [sflag:$0x1] =	stream.indirect.gather [hbm4b:s3+s5], $0x20, s13, s5, $0xb8;
	[tilespmem:$0x1D400] =	vst v63  }
0x146: {  	s29 =	simm.s32 $0x7400;
	s13 =	sld [smem:$0x7E9]  }
0x147: {  	[tilespmem:s29], [sflag:$0x1] =	stream.indirect.gather [hbm4b:s3+s5], $0x20, s12, s5, $0xb8;
	[tilespmem:$0x1D400] =	vst v63  }
0x148: {  	s20 =	simm.s32 $0x8400;
	s26 =	sld [smem:$0x7EA]  }
0x149: {  	[tilespmem:s20], [sflag:$0x1] =	stream.indirect.gather [hbm4b:s3+s5], $0x20, s13, s5, $0xb8;
	[tilespmem:$0x1D400] =	vst v63  }
0x14a: {  	s29 =	sld [smem:$0x7EB];
	s20 =	simm.s32 $0x9400  }
0x14b: {  	[tilespmem:s20], [sflag:$0x1] =	stream.indirect.gather [hbm4b:s3+s5], $0x20, s26, s5, $0xb8;
	[tilespmem:$0x1D400] =	vst v63  }
0x14c: {  	s6 =	simm.s32 $0xA400;
	s26 =	sld [smem:$0x7EC]  }
0x14d: {  	[tilespmem:s6], [sflag:$0x1] =	stream.indirect.gather [hbm4b:s3+s5], $0x20, s29, s5, $0xb8;
	[tilespmem:$0x1D400] =	vst v63  }
0x14e: {  	s30 =	simm.s32 $0xB400;
	s29 =	sld [smem:$0x7ED]  }
0x14f: {  	[tilespmem:s30], [sflag:$0x1] =	stream.indirect.gather [hbm4b:s3+s5], $0x20, s26, s5, $0xb8;
	[tilespmem:$0x1D400] =	vst v63  }
0x150: {  	s15 =	simm.s32 $0xC400;
	s4 =	sld [smem:$0x7EE]  }
0x151: {  	[tilespmem:s15], [sflag:$0x1] =	stream.indirect.gather [hbm4b:s3+s5], $0x20, s29, s5, $0xb8;
	[tilespmem:$0x1D400] =	vst v63  }
0x152: {  	s6 =	sld [smem:$0x7EF];
	s15 =	simm.s32 $0xD400  }
0x153: {  	[tilespmem:s15], [sflag:$0x1] =	stream.indirect.gather [hbm4b:s3+s5], $0x20, s4, s5, $0xb8;
	[tilespmem:$0x1D400] =	vst v63  }
0x154: {  	s21 =	simm.s32 $0xE400;
	s20 =	sld [smem:$0x7F0]  }
0x155: {  	[tilespmem:s21], [sflag:$0x1] =	stream.indirect.gather [hbm4b:s3+s5], $0x20, s6, s5, $0xb8;
	[tilespmem:$0x1D400] =	vst v63  }
0x156: {  	s21 =	simm.s32 $0xF400  }
0x157: {  	[tilespmem:s21], [sflag:$0x1] =	stream.indirect.gather [hbm4b:s3+s5], $0x20, s20, s5, $0xb8;
	[tilespmem:$0x1D400] =	vst v63  }
0x158: {  	_ =	swait.ge [sflag:s8], $0xD000  }
0x159: {  	s26 =	sld [smem:$0x7F1]  }
0x15a: {  	[sflag:s8] =	ssyncset.done $0x0  }
0x15b: {  	s29 =	sld [smem:$0x7F2];
	[sflag:s8] =	ssyncadd.s32 $0xFFFF3000  }
0x15c: {  	[tilespmem:s25], [sflag:$0x2] =	stream.indirect.gather [hbm4b:s3+s5], $0x20, s26, s5, $0xb8;
	[tilespmem:$0x1D400] =	vst v63  }
0x15d: {  	s28 =	simm.s32 $0x11400;
	s30 =	sld [smem:$0x7F3]  }
0x15e: {  	[tilespmem:s28], [sflag:$0x2] =	stream.indirect.gather [hbm4b:s3+s5], $0x20, s29, s5, $0xb8;
	[tilespmem:$0x1D400] =	vst v63  }
0x15f: {  	s4 =	sld [smem:$0x7F4]  }
0x160: {  	[tilespmem:s31], [sflag:$0x2] =	stream.indirect.gather [hbm4b:s3+s5], $0x20, s30, s5, $0xb8;
	[tilespmem:$0x1D400] =	vst v63  }
0x161: {  	s16 =	simm.s32 $0x13400;
	s6 =	sld [smem:$0x7F5]  }
0x162: {  	[tilespmem:s16], [sflag:$0x2] =	stream.indirect.gather [hbm4b:s3+s5], $0x20, s4, s5, $0xb8;
	[tilespmem:$0x1D400] =	vst v63  }
0x163: {  	s18 =	simm.s32 $0x14400;
	s15 =	sld [smem:$0x7F6]  }
0x164: {  	[tilespmem:s18], [sflag:$0x2] =	stream.indirect.gather [hbm4b:s3+s5], $0x20, s6, s5, $0xb8;
	[tilespmem:$0x1D400] =	vst v63  }
0x165: {  	s24 =	simm.s32 $0x15400;
	s16 =	sld [smem:$0x7F7]  }
0x166: {  	[tilespmem:s24], [sflag:$0x2] =	stream.indirect.gather [hbm4b:s3+s5], $0x20, s15, s5, $0xb8;
	[tilespmem:$0x1D400] =	vst v63  }
0x167: {  	s9 =	simm.s32 $0x16400;
	s18 =	sld [smem:$0x7F8]  }
0x168: {  	[tilespmem:s9], [sflag:$0x2] =	stream.indirect.gather [hbm4b:s3+s5], $0x20, s16, s5, $0xb8;
	[tilespmem:$0x1D400] =	vst v63  }
0x169: {  	s22 =	simm.s32 $0x17400;
	s20 =	sld [smem:$0x7F9]  }
0x16a: {  	[tilespmem:s22], [sflag:$0x2] =	stream.indirect.gather [hbm4b:s3+s5], $0x20, s18, s5, $0xb8;
	[tilespmem:$0x1D400] =	vst v63  }
0x16b: {  	s21 =	sld [smem:$0x7FA]  }
0x16c: {  	[tilespmem:s11], [sflag:$0x2] =	stream.indirect.gather [hbm4b:s3+s5], $0x20, s20, s5, $0xb8;
	[tilespmem:$0x1D400] =	vst v63  }
0x16d: {  	s22 =	sld [smem:$0x7FB]  }
0x16e: {  	[tilespmem:s1], [sflag:$0x2] =	stream.indirect.gather [hbm4b:s3+s5], $0x20, s21, s5, $0xb8;
	[tilespmem:$0x1D400] =	vst v63  }
0x16f: {  	s24 =	sld [smem:$0x7FC]  }
0x170: {  	[tilespmem:s0], [sflag:$0x2] =	stream.indirect.gather [hbm4b:s3+s5], $0x20, s22, s5, $0xb8;
	[tilespmem:$0x1D400] =	vst v63  }
0x171: {  	s23 =	simm.s32 $0x1B400;
	s26 =	sld [smem:$0x7FD]  }
0x172: {  	[tilespmem:s23], [sflag:$0x2] =	stream.indirect.gather [hbm4b:s3+s5], $0x20, s24, s5, $0xb8;
	[tilespmem:$0x1D400] =	vst v63  }
0x173: {  	s17 =	simm.s32 $0x1C400  }
0x174: {  	[tilespmem:s17], [sflag:$0x2] =	stream.indirect.gather [hbm4b:s3+s5], $0x20, s26, s5, $0xb8;
	[tilespmem:$0x1D400] =	vst v63  }
0x175: {  	_ =	swait.ge [sflag:s19], $0xD000  }
0x176: {  	[sflag:s19] =	ssyncset.done $0x0  }
0x177: {  	s28 =	rddreg [dreg:$0x4];
	[sflag:s19] =	ssyncadd.s32 $0xFFFF3000  }
0x178: {  	[hbm4b:s28+s2] =	stream.linear.scatter [tilespmem:s7], [sflag:$0x3], $0xD000, $0x38;
	[tilespmem:$0x1D400] =	vst v63  }
0x179: {  	_ =	swait.ge [sflag:s14], $0xD000  }
0x17a: {  	[sflag:s14] =	ssyncset.done $0x0  }
0x17b: {  	s29 =	rddreg [dreg:$0x5];
	[sflag:s14] =	ssyncadd.s32 $0xFFFF3000  }
0x17c: {  	[hbm4b:s29+s2] =	stream.linear.scatter [tilespmem:s25], [sflag:$0x4], $0xD000, $0x38;
	[tilespmem:$0x1D400] =	vst v63  }
0x17d: {  	_ =	swait.ge [sflag:s10], $0xD000  }
0x17e: {  	s30 =	sld [smem:$0x7AB];
	_ =	sdelay $0x2  }
0x17f: {  	p1 =	sne.s32 s30, $0x1  }
.Ltmp1:
0x180: {  	_ = 	snop;
	(pc) =	sbr.rel @!p1 .LBB2_3-.Ltmp1, $4  }
0x181: {  	[sflag:s10] =	ssyncset.done $0x0  }
0x182: {  	p0 =	por $0x1, $0x1;
	[sflag:s10] =	ssyncadd.s32 $0xFFFF3000  }
0x183: {  	s31 =	simm.s32 $0x3400;
	s17 =	simm.s32 $0x10400;
	_ =	swait.ge [sflag:s8], $0xD000  }
0x184: {  	s12 =	sadd.s32 $0xFFFFFFFF, s30;
	s13 =	rddreg [dreg:$0x3];
	[sflag:s8] =	ssyncset.done $0x0  }
.LBB2_4:
0x185: {  	[sflag:s8] =	ssyncadd.s32 $0xFFFF3000;
	s22 =	simm.s32 $0x5  }
0x186: {  	[tilespmem:s2], [sflag:$0x5] =	stream.linear.gather [hbm4b:s13+s2], $0x3400, $0x38;
	[tilespmem:$0x1D400] =	vst v63  }
0x187: {  	_ =	swait.ge [sflag:s22], $0x3400  }
0x188: {  	[sflag:s22] =	ssyncset.done $0x0  }
0x189: {  	[sflag:s22] =	ssyncadd.s32 $0xFFFFCC00  }
0x18a: {  	[tilespmem:s31], [sflag:$0x1] =	stream.indirect.gather [hbm4b:s3+s5], $0x20, s2, s5, $0xb8;
	[tilespmem:$0x1D400] =	vst v63  }
0x18b: {  	s0 =	simm.s32 $0x4400;
	s23 =	rddreg [dreg:$0xb]  }
0x18c: {  	[tilespmem:s0], [sflag:$0x1] =	stream.indirect.gather [hbm4b:s3+s5], $0x20, s5, s5, $0xb8;
	[tilespmem:$0x1D400] =	vst v63  }
0x18d: {  	s24 =	simm.s32 $0x5400;
	s15 =	rddreg [dreg:$0xc]  }
0x18e: {  	[tilespmem:s24], [sflag:$0x1] =	stream.indirect.gather [hbm4b:s3+s5], $0x20, s23, s5, $0xb8;
	[tilespmem:$0x1D400] =	vst v63  }
0x18f: {  	s26 =	simm.s32 $0x6400;
	s25 =	rddreg [dreg:$0xd]  }
0x190: {  	[tilespmem:s26], [sflag:$0x1] =	stream.indirect.gather [hbm4b:s3+s5], $0x20, s15, s5, $0xb8;
	[tilespmem:$0x1D400] =	vst v63  }
0x191: {  	s1 =	simm.s32 $0x7400;
	s30 =	rddreg [dreg:$0xe]  }
0x192: {  	[tilespmem:s1], [sflag:$0x1] =	stream.indirect.gather [hbm4b:s3+s5], $0x20, s25, s5, $0xb8;
	[tilespmem:$0x1D400] =	vst v63  }
0x193: {  	s4 =	simm.s32 $0x8400;
	s6 =	rddreg [dreg:$0x10]  }
0x194: {  	[tilespmem:s4], [sflag:$0x1] =	stream.indirect.gather [hbm4b:s3+s5], $0x20, s30, s5, $0xb8;
	[tilespmem:$0x1D400] =	vst v63  }
0x195: {  	s7 =	simm.s32 $0x9400;
	s2 =	rddreg [dreg:$0xf]  }
0x196: {  	[tilespmem:s7], [sflag:$0x1] =	stream.indirect.gather [hbm4b:s3+s5], $0x20, s2, s5, $0xb8;
	[tilespmem:$0x1D400] =	vst v63  }
0x197: {  	s9 =	simm.s32 $0xA400;
	s8 =	rddreg [dreg:$0x11]  }
0x198: {  	[tilespmem:s9], [sflag:$0x1] =	stream.indirect.gather [hbm4b:s3+s5], $0x20, s6, s5, $0xb8;
	[tilespmem:$0x1D400] =	vst v63  }
0x199: {  	s14 =	simm.s32 $0xB400;
	s10 =	rddreg [dreg:$0x12]  }
0x19a: {  	[tilespmem:s14], [sflag:$0x1] =	stream.indirect.gather [hbm4b:s3+s5], $0x20, s8, s5, $0xb8;
	[tilespmem:$0x1D400] =	vst v63  }
0x19b: {  	s19 =	simm.s32 $0xC400;
	s18 =	rddreg [dreg:$0x13]  }
0x19c: {  	[tilespmem:s19], [sflag:$0x1] =	stream.indirect.gather [hbm4b:s3+s5], $0x20, s10, s5, $0xb8;
	[tilespmem:$0x1D400] =	vst v63  }
0x19d: {  	s21 =	simm.s32 $0xD400;
	s20 =	rddreg [dreg:$0x14]  }
0x19e: {  	[tilespmem:s21], [sflag:$0x1] =	stream.indirect.gather [hbm4b:s3+s5], $0x20, s18, s5, $0xb8;
	[tilespmem:$0x1D400] =	vst v63  }
0x19f: {  	s22 =	rddreg [dreg:$0x15];
	s30 =	simm.s32 $0xE400  }
0x1a0: {  	[tilespmem:s30], [sflag:$0x1] =	stream.indirect.gather [hbm4b:s3+s5], $0x20, s20, s5, $0xb8;
	[tilespmem:$0x1D400] =	vst v63  }
0x1a1: {  	s1 =	rddreg [dreg:$0x16];
	s2 =	simm.s32 $0xF400  }
0x1a2: {  	[tilespmem:s2], [sflag:$0x1] =	stream.indirect.gather [hbm4b:s3+s5], $0x20, s22, s5, $0xb8;
	[tilespmem:$0x1D400] =	vst v63  }
0x1a3: {  	s4 =	rddreg [dreg:$0x17]  }
0x1a4: {  	[tilespmem:s17], [sflag:$0x2] =	stream.indirect.gather [hbm4b:s3+s5], $0x20, s1, s5, $0xb8;
	[tilespmem:$0x1D400] =	vst v63  }
0x1a5: {  	s7 =	simm.s32 $0x11400;
	s6 =	rddreg [dreg:$0x18]  }
0x1a6: {  	[tilespmem:s7], [sflag:$0x2] =	stream.indirect.gather [hbm4b:s3+s5], $0x20, s4, s5, $0xb8;
	[tilespmem:$0x1D400] =	vst v63  }
0x1a7: {  	s9 =	simm.s32 $0x12400;
	s8 =	rddreg [dreg:$0x19]  }
0x1a8: {  	[tilespmem:s9], [sflag:$0x2] =	stream.indirect.gather [hbm4b:s3+s5], $0x20, s6, s5, $0xb8;
	[tilespmem:$0x1D400] =	vst v63  }
0x1a9: {  	s14 =	simm.s32 $0x13400;
	s10 =	rddreg [dreg:$0x1a]  }
0x1aa: {  	[tilespmem:s14], [sflag:$0x2] =	stream.indirect.gather [hbm4b:s3+s5], $0x20, s8, s5, $0xb8;
	[tilespmem:$0x1D400] =	vst v63  }
0x1ab: {  	s19 =	simm.s32 $0x14400;
	s18 =	rddreg [dreg:$0x1b]  }
0x1ac: {  	[tilespmem:s19], [sflag:$0x2] =	stream.indirect.gather [hbm4b:s3+s5], $0x20, s10, s5, $0xb8;
	[tilespmem:$0x1D400] =	vst v63  }
0x1ad: {  	s21 =	simm.s32 $0x15400;
	s20 =	rddreg [dreg:$0x1c]  }
0x1ae: {  	[tilespmem:s21], [sflag:$0x2] =	stream.indirect.gather [hbm4b:s3+s5], $0x20, s18, s5, $0xb8;
	[tilespmem:$0x1D400] =	vst v63  }
0x1af: {  	s30 =	rddreg [dreg:$0x1d];
	s1 =	simm.s32 $0x16400  }
0x1b0: {  	[tilespmem:s1], [sflag:$0x2] =	stream.indirect.gather [hbm4b:s3+s5], $0x20, s20, s5, $0xb8;
	[tilespmem:$0x1D400] =	vst v63  }
0x1b1: {  	s9 =	simm.s32 $0x17400;
	s1 =	rddreg [dreg:$0x1e]  }
0x1b2: {  	[tilespmem:s9], [sflag:$0x2] =	stream.indirect.gather [hbm4b:s3+s5], $0x20, s30, s5, $0xb8;
	[tilespmem:$0x1D400] =	vst v63  }
0x1b3: {  	s18 =	simm.s32 $0x18400;
	s20 =	sld [smem:$0x7AD]  }
0x1b4: {  	[tilespmem:s18], [sflag:$0x2] =	stream.indirect.gather [hbm4b:s3+s5], $0x20, s1, s5, $0xb8;
	[tilespmem:$0x1D400] =	vst v63  }
0x1b5: {  	s21 =	simm.s32 $0x19400;
	s9 =	rddreg [dreg:$0x1f]  }
0x1b6: {  	[tilespmem:s21], [sflag:$0x2] =	stream.indirect.gather [hbm4b:s3+s5], $0x20, s9, s5, $0xb8;
	[tilespmem:$0x1D400] =	vst v63  }
0x1b7: {  	s30 =	sld [smem:$0x7AE];
	s9 =	simm.s32 $0x1A400  }
0x1b8: {  	[tilespmem:s9], [sflag:$0x2] =	stream.indirect.gather [hbm4b:s3+s5], $0x20, s20, s5, $0xb8;
	[tilespmem:$0x1D400] =	vst v63  }
0x1b9: {  	s18 =	sld [smem:$0x7AF];
	s21 =	simm.s32 $0x1B400  }
0x1ba: {  	[tilespmem:s21], [sflag:$0x2] =	stream.indirect.gather [hbm4b:s3+s5], $0x20, s30, s5, $0xb8;
	[tilespmem:$0x1D400] =	vst v63  }
0x1bb: {  	s0 =	simm.s32 $0x1;
	s30 =	simm.s32 $0x1C400  }
0x1bc: {  	[tilespmem:s30], [sflag:$0x2] =	stream.indirect.gather [hbm4b:s3+s5], $0x20, s18, s5, $0xb8;
	[tilespmem:$0x1D400] =	vst v63  }
0x1bd: {  	_ =	swait.ge [sflag:s0], $0xD000  }
0x1be: {  	s1 =	sld [smem:$0x7AC]  }
0x1bf: {  	[sflag:s0] =	ssyncset.done $0x0  }
0x1c0: {  	s8 =	simm.s32 $0x0;
	s19 =	simm.s32 $0x2;
	[sflag:s0] =	ssyncadd.s32 $0xFFFF3000  }
0x1c1: {  	[hbm4b:s1+s8] =	stream.linear.scatter [tilespmem:s31], [sflag:$0x3], $0xD000, $0x38;
	[tilespmem:$0x1D400] =	vst v63  }
0x1c2: {  	_ =	swait.ge [sflag:s19], $0xD000  }
0x1c3: {  	[sflag:s19] =	ssyncset.done $0x0  }
0x1c4: {  	s14 =	simm.s32 $0x3;
	s9 =	rddreg [dreg:$0x6];
	[sflag:s19] =	ssyncadd.s32 $0xFFFF3000  }
0x1c5: {  	[hbm4b:s9+s8] =	stream.linear.scatter [tilespmem:s17], [sflag:$0x4], $0xD000, $0x38;
	[tilespmem:$0x1D400] =	vst v63  }
0x1c6: {  	_ =	swait.ge [sflag:s14], $0xD000  }
0x1c7: {  	s15 =	sld [smem:$0x7B0]  }
0x1c8: {  	[sflag:s14] =	ssyncset.done $0x0  }
0x1c9: {  	s30 =	sld [smem:$0x7B1];
	[sflag:s14] =	ssyncadd.s32 $0xFFFF3000  }
0x1ca: {  	[tilespmem:s31], [sflag:$0x1] =	stream.indirect.gather [hbm4b:s3+s5], $0x20, s15, s5, $0xb8;
	[tilespmem:$0x1D400] =	vst v63  }
0x1cb: {  	s29 =	simm.s32 $0x4400;
	s1 =	sld [smem:$0x7B2]  }
0x1cc: {  	[tilespmem:s29], [sflag:$0x1] =	stream.indirect.gather [hbm4b:s3+s5], $0x20, s30, s5, $0xb8;
	[tilespmem:$0x1D400] =	vst v63  }
0x1cd: {  	s28 =	simm.s32 $0x5400;
	s9 =	sld [smem:$0x7B3]  }
0x1ce: {  	[tilespmem:s28], [sflag:$0x1] =	stream.indirect.gather [hbm4b:s3+s5], $0x20, s1, s5, $0xb8;
	[tilespmem:$0x1D400] =	vst v63  }
0x1cf: {  	s26 =	simm.s32 $0x6400;
	s28 =	sld [smem:$0x7B4]  }
0x1d0: {  	[tilespmem:s26], [sflag:$0x1] =	stream.indirect.gather [hbm4b:s3+s5], $0x20, s9, s5, $0xb8;
	[tilespmem:$0x1D400] =	vst v63  }
0x1d1: {  	s25 =	simm.s32 $0x7400;
	s29 =	sld [smem:$0x7B5]  }
0x1d2: {  	[tilespmem:s25], [sflag:$0x1] =	stream.indirect.gather [hbm4b:s3+s5], $0x20, s28, s5, $0xb8;
	[tilespmem:$0x1D400] =	vst v63  }
0x1d3: {  	s24 =	simm.s32 $0x8400;
	s30 =	sld [smem:$0x7B6]  }
0x1d4: {  	[tilespmem:s24], [sflag:$0x1] =	stream.indirect.gather [hbm4b:s3+s5], $0x20, s29, s5, $0xb8;
	[tilespmem:$0x1D400] =	vst v63  }
0x1d5: {  	s23 =	simm.s32 $0x9400;
	s1 =	sld [smem:$0x7B7]  }
0x1d6: {  	[tilespmem:s23], [sflag:$0x1] =	stream.indirect.gather [hbm4b:s3+s5], $0x20, s30, s5, $0xb8;
	[tilespmem:$0x1D400] =	vst v63  }
0x1d7: {  	s16 =	simm.s32 $0xA400;
	s9 =	sld [smem:$0x7B8]  }
0x1d8: {  	[tilespmem:s16], [sflag:$0x1] =	stream.indirect.gather [hbm4b:s3+s5], $0x20, s1, s5, $0xb8;
	[tilespmem:$0x1D400] =	vst v63  }
0x1d9: {  	s11 =	simm.s32 $0xB400;
	s16 =	sld [smem:$0x7B9]  }
0x1da: {  	[tilespmem:s11], [sflag:$0x1] =	stream.indirect.gather [hbm4b:s3+s5], $0x20, s9, s5, $0xb8;
	[tilespmem:$0x1D400] =	vst v63  }
0x1db: {  	s23 =	sld [smem:$0x7BA];
	s9 =	simm.s32 $0xC400  }
0x1dc: {  	[tilespmem:s9], [sflag:$0x1] =	stream.indirect.gather [hbm4b:s3+s5], $0x20, s16, s5, $0xb8;
	[tilespmem:$0x1D400] =	vst v63  }
0x1dd: {  	s24 =	sld [smem:$0x7BB];
	s11 =	simm.s32 $0xD400  }
0x1de: {  	[tilespmem:s11], [sflag:$0x1] =	stream.indirect.gather [hbm4b:s3+s5], $0x20, s23, s5, $0xb8;
	[tilespmem:$0x1D400] =	vst v63  }
0x1df: {  	s25 =	sld [smem:$0x7BC];
	s16 =	simm.s32 $0xE400  }
0x1e0: {  	[tilespmem:s16], [sflag:$0x1] =	stream.indirect.gather [hbm4b:s3+s5], $0x20, s24, s5, $0xb8;
	[tilespmem:$0x1D400] =	vst v63  }
0x1e1: {  	s22 =	simm.s32 $0xF400;
	s10 =	simm.s32 $0x4  }
0x1e2: {  	[tilespmem:s22], [sflag:$0x1] =	stream.indirect.gather [hbm4b:s3+s5], $0x20, s25, s5, $0xb8;
	[tilespmem:$0x1D400] =	vst v63  }
0x1e3: {  	_ =	swait.ge [sflag:s10], $0xD000  }
0x1e4: {  	s26 =	sld [smem:$0x7BD]  }
0x1e5: {  	[sflag:s10] =	ssyncset.done $0x0  }
0x1e6: {  	s28 =	sld [smem:$0x7BE];
	[sflag:s10] =	ssyncadd.s32 $0xFFFF3000  }
0x1e7: {  	[tilespmem:s17], [sflag:$0x2] =	stream.indirect.gather [hbm4b:s3+s5], $0x20, s26, s5, $0xb8;
	[tilespmem:$0x1D400] =	vst v63  }
0x1e8: {  	s1 =	simm.s32 $0x11400;
	s22 =	sld [smem:$0x7BF]  }
0x1e9: {  	[tilespmem:s1], [sflag:$0x2] =	stream.indirect.gather [hbm4b:s3+s5], $0x20, s28, s5, $0xb8;
	[tilespmem:$0x1D400] =	vst v63  }
0x1ea: {  	s6 =	simm.s32 $0x12400;
	s23 =	sld [smem:$0x7C0]  }
0x1eb: {  	[tilespmem:s6], [sflag:$0x2] =	stream.indirect.gather [hbm4b:s3+s5], $0x20, s22, s5, $0xb8;
	[tilespmem:$0x1D400] =	vst v63  }
0x1ec: {  	s2 =	simm.s32 $0x13400;
	s24 =	sld [smem:$0x7C1]  }
0x1ed: {  	[tilespmem:s2], [sflag:$0x2] =	stream.indirect.gather [hbm4b:s3+s5], $0x20, s23, s5, $0xb8;
	[tilespmem:$0x1D400] =	vst v63  }
0x1ee: {  	s26 =	sld [smem:$0x7C2];
	s2 =	simm.s32 $0x14400  }
0x1ef: {  	[tilespmem:s2], [sflag:$0x2] =	stream.indirect.gather [hbm4b:s3+s5], $0x20, s24, s5, $0xb8;
	[tilespmem:$0x1D400] =	vst v63  }
0x1f0: {  	s4 =	simm.s32 $0x15400;
	s28 =	sld [smem:$0x7C3]  }
0x1f1: {  	[tilespmem:s4], [sflag:$0x2] =	stream.indirect.gather [hbm4b:s3+s5], $0x20, s26, s5, $0xb8;
	[tilespmem:$0x1D400] =	vst v63  }
0x1f2: {  	s7 =	simm.s32 $0x16400;
	s6 =	sld [smem:$0x7C4]  }
0x1f3: {  	[tilespmem:s7], [sflag:$0x2] =	stream.indirect.gather [hbm4b:s3+s5], $0x20, s28, s5, $0xb8;
	[tilespmem:$0x1D400] =	vst v63  }
0x1f4: {  	s23 =	sld [smem:$0x7C5];
	s7 =	simm.s32 $0x17400  }
0x1f5: {  	[tilespmem:s7], [sflag:$0x2] =	stream.indirect.gather [hbm4b:s3+s5], $0x20, s6, s5, $0xb8;
	[tilespmem:$0x1D400] =	vst v63  }
0x1f6: {  	s26 =	sld [smem:$0x7C6];
	s4 =	simm.s32 $0x18400  }
0x1f7: {  	[tilespmem:s4], [sflag:$0x2] =	stream.indirect.gather [hbm4b:s3+s5], $0x20, s23, s5, $0xb8;
	[tilespmem:$0x1D400] =	vst v63  }
0x1f8: {  	s6 =	simm.s32 $0x19400;
	s23 =	sld [smem:$0x7C7]  }
0x1f9: {  	[tilespmem:s6], [sflag:$0x2] =	stream.indirect.gather [hbm4b:s3+s5], $0x20, s26, s5, $0xb8;
	[tilespmem:$0x1D400] =	vst v63  }
0x1fa: {  	s20 =	simm.s32 $0x1A400;
	s26 =	sld [smem:$0x7C8]  }
0x1fb: {  	[tilespmem:s20], [sflag:$0x2] =	stream.indirect.gather [hbm4b:s3+s5], $0x20, s23, s5, $0xb8;
	[tilespmem:$0x1D400] =	vst v63  }
0x1fc: {  	s21 =	simm.s32 $0x1B400;
	s23 =	sld [smem:$0x7C9]  }
0x1fd: {  	[tilespmem:s21], [sflag:$0x2] =	stream.indirect.gather [hbm4b:s3+s5], $0x20, s26, s5, $0xb8;
	[tilespmem:$0x1D400] =	vst v63  }
0x1fe: {  	s18 =	simm.s32 $0x1C400  }
0x1ff: {  	[tilespmem:s18], [sflag:$0x2] =	stream.indirect.gather [hbm4b:s3+s5], $0x20, s23, s5, $0xb8;
	[tilespmem:$0x1D400] =	vst v63  }
0x200: {  	_ =	swait.ge [sflag:s0], $0xD000  }
0x201: {  	[sflag:s0] =	ssyncset.done $0x0  }
0x202: {  	s21 =	rddreg [dreg:$0x7];
	[sflag:s0] =	ssyncadd.s32 $0xFFFF3000  }
0x203: {  	[hbm4b:s21+s8] =	stream.linear.scatter [tilespmem:s31], [sflag:$0x3], $0xD000, $0x38;
	[tilespmem:$0x1D400] =	vst v63  }
0x204: {  	_ =	swait.ge [sflag:s19], $0xD000  }
0x205: {  	[sflag:s19] =	ssyncset.done $0x0  }
0x206: {  	s0 =	rddreg [dreg:$0x8];
	[sflag:s19] =	ssyncadd.s32 $0xFFFF3000  }
0x207: {  	[hbm4b:s0+s8] =	stream.linear.scatter [tilespmem:s17], [sflag:$0x4], $0xD000, $0x38;
	[tilespmem:$0x1D400] =	vst v63  }
0x208: {  	_ =	swait.ge [sflag:s14], $0xD000  }
0x209: {  	s15 =	sld [smem:$0x7CA]  }
0x20a: {  	[sflag:s14] =	ssyncset.done $0x0  }
0x20b: {  	s18 =	sld [smem:$0x7CB];
	[sflag:s14] =	ssyncadd.s32 $0xFFFF3000  }
0x20c: {  	[tilespmem:s31], [sflag:$0x1] =	stream.indirect.gather [hbm4b:s3+s5], $0x20, s15, s5, $0xb8;
	[tilespmem:$0x1D400] =	vst v63  }
0x20d: {  	s21 =	simm.s32 $0x4400;
	s13 =	sld [smem:$0x7CC]  }
0x20e: {  	[tilespmem:s21], [sflag:$0x1] =	stream.indirect.gather [hbm4b:s3+s5], $0x20, s18, s5, $0xb8;
	[tilespmem:$0x1D400] =	vst v63  }
0x20f: {  	s15 =	sld [smem:$0x7CD];
	s18 =	simm.s32 $0x5400  }
0x210: {  	[tilespmem:s18], [sflag:$0x1] =	stream.indirect.gather [hbm4b:s3+s5], $0x20, s13, s5, $0xb8;
	[tilespmem:$0x1D400] =	vst v63  }
0x211: {  	s21 =	simm.s32 $0x6400;
	s13 =	sld [smem:$0x7CE]  }
0x212: {  	[tilespmem:s21], [sflag:$0x1] =	stream.indirect.gather [hbm4b:s3+s5], $0x20, s15, s5, $0xb8;
	[tilespmem:$0x1D400] =	vst v63  }
0x213: {  	s18 =	simm.s32 $0x7400;
	s15 =	sld [smem:$0x7CF]  }
0x214: {  	[tilespmem:s18], [sflag:$0x1] =	stream.indirect.gather [hbm4b:s3+s5], $0x20, s13, s5, $0xb8;
	[tilespmem:$0x1D400] =	vst v63  }
0x215: {  	s21 =	simm.s32 $0x8400;
	s13 =	sld [smem:$0x7D0]  }
0x216: {  	[tilespmem:s21], [sflag:$0x1] =	stream.indirect.gather [hbm4b:s3+s5], $0x20, s15, s5, $0xb8;
	[tilespmem:$0x1D400] =	vst v63  }
0x217: {  	s18 =	sld [smem:$0x7D1];
	s21 =	simm.s32 $0x9400  }
0x218: {  	[tilespmem:s21], [sflag:$0x1] =	stream.indirect.gather [hbm4b:s3+s5], $0x20, s13, s5, $0xb8;
	[tilespmem:$0x1D400] =	vst v63  }
0x219: {  	s30 =	simm.s32 $0xA400;
	s0 =	sld [smem:$0x7D2]  }
0x21a: {  	[tilespmem:s30], [sflag:$0x1] =	stream.indirect.gather [hbm4b:s3+s5], $0x20, s18, s5, $0xb8;
	[tilespmem:$0x1D400] =	vst v63  }
0x21b: {  	s29 =	simm.s32 $0xB400;
	s18 =	sld [smem:$0x7D3]  }
0x21c: {  	[tilespmem:s29], [sflag:$0x1] =	stream.indirect.gather [hbm4b:s3+s5], $0x20, s0, s5, $0xb8;
	[tilespmem:$0x1D400] =	vst v63  }
0x21d: {  	s21 =	sld [smem:$0x7D4]  }
0x21e: {  	[tilespmem:s9], [sflag:$0x1] =	stream.indirect.gather [hbm4b:s3+s5], $0x20, s18, s5, $0xb8;
	[tilespmem:$0x1D400] =	vst v63  }
0x21f: {  	s0 =	sld [smem:$0x7D5]  }
0x220: {  	[tilespmem:s11], [sflag:$0x1] =	stream.indirect.gather [hbm4b:s3+s5], $0x20, s21, s5, $0xb8;
	[tilespmem:$0x1D400] =	vst v63  }
0x221: {  	s18 =	sld [smem:$0x7D6]  }
0x222: {  	[tilespmem:s16], [sflag:$0x1] =	stream.indirect.gather [hbm4b:s3+s5], $0x20, s0, s5, $0xb8;
	[tilespmem:$0x1D400] =	vst v63  }
0x223: {  	s21 =	simm.s32 $0xF400  }
0x224: {  	[tilespmem:s21], [sflag:$0x1] =	stream.indirect.gather [hbm4b:s3+s5], $0x20, s18, s5, $0xb8;
	[tilespmem:$0x1D400] =	vst v63  }
0x225: {  	_ =	swait.ge [sflag:s10], $0xD000  }
0x226: {  	s15 =	sld [smem:$0x7D7]  }
0x227: {  	[sflag:s10] =	ssyncset.done $0x0  }
0x228: {  	s18 =	sld [smem:$0x7D8];
	[sflag:s10] =	ssyncadd.s32 $0xFFFF3000  }
0x229: {  	[tilespmem:s17], [sflag:$0x2] =	stream.indirect.gather [hbm4b:s3+s5], $0x20, s15, s5, $0xb8;
	[tilespmem:$0x1D400] =	vst v63  }
0x22a: {  	s21 =	sld [smem:$0x7D9]  }
0x22b: {  	[tilespmem:s1], [sflag:$0x2] =	stream.indirect.gather [hbm4b:s3+s5], $0x20, s18, s5, $0xb8;
	[tilespmem:$0x1D400] =	vst v63  }
0x22c: {  	s25 =	simm.s32 $0x12400;
	s18 =	sld [smem:$0x7DA]  }
0x22d: {  	[tilespmem:s25], [sflag:$0x2] =	stream.indirect.gather [hbm4b:s3+s5], $0x20, s21, s5, $0xb8;
	[tilespmem:$0x1D400] =	vst v63  }
0x22e: {  	s22 =	simm.s32 $0x13400;
	s21 =	sld [smem:$0x7DB]  }
0x22f: {  	[tilespmem:s22], [sflag:$0x2] =	stream.indirect.gather [hbm4b:s3+s5], $0x20, s18, s5, $0xb8;
	[tilespmem:$0x1D400] =	vst v63  }
0x230: {  	s22 =	sld [smem:$0x7DC]  }
0x231: {  	[tilespmem:s2], [sflag:$0x2] =	stream.indirect.gather [hbm4b:s3+s5], $0x20, s21, s5, $0xb8;
	[tilespmem:$0x1D400] =	vst v63  }
0x232: {  	s24 =	simm.s32 $0x15400;
	s21 =	sld [smem:$0x7DD]  }
0x233: {  	[tilespmem:s24], [sflag:$0x2] =	stream.indirect.gather [hbm4b:s3+s5], $0x20, s22, s5, $0xb8;
	[tilespmem:$0x1D400] =	vst v63  }
0x234: {  	s28 =	simm.s32 $0x16400;
	s22 =	sld [smem:$0x7DE]  }
0x235: {  	[tilespmem:s28], [sflag:$0x2] =	stream.indirect.gather [hbm4b:s3+s5], $0x20, s21, s5, $0xb8;
	[tilespmem:$0x1D400] =	vst v63  }
0x236: {  	s28 =	sld [smem:$0x7DF]  }
0x237: {  	[tilespmem:s7], [sflag:$0x2] =	stream.indirect.gather [hbm4b:s3+s5], $0x20, s22, s5, $0xb8;
	[tilespmem:$0x1D400] =	vst v63  }
0x238: {  	s21 =	sld [smem:$0x7E0]  }
0x239: {  	[tilespmem:s4], [sflag:$0x2] =	stream.indirect.gather [hbm4b:s3+s5], $0x20, s28, s5, $0xb8;
	[tilespmem:$0x1D400] =	vst v63  }
0x23a: {  	s22 =	sld [smem:$0x7E1]  }
0x23b: {  	[tilespmem:s6], [sflag:$0x2] =	stream.indirect.gather [hbm4b:s3+s5], $0x20, s21, s5, $0xb8;
	[tilespmem:$0x1D400] =	vst v63  }
0x23c: {  	s20 =	simm.s32 $0x1A400;
	s28 =	sld [smem:$0x7E2]  }
0x23d: {  	[tilespmem:s20], [sflag:$0x2] =	stream.indirect.gather [hbm4b:s3+s5], $0x20, s22, s5, $0xb8;
	[tilespmem:$0x1D400] =	vst v63  }
0x23e: {  	s26 =	simm.s32 $0x1B400;
	s20 =	sld [smem:$0x7E3]  }
0x23f: {  	[tilespmem:s26], [sflag:$0x2] =	stream.indirect.gather [hbm4b:s3+s5], $0x20, s28, s5, $0xb8;
	[tilespmem:$0x1D400] =	vst v63  }
0x240: {  	s23 =	simm.s32 $0x1C400;
	s19 =	simm.s32 $0x1  }
0x241: {  	[tilespmem:s23], [sflag:$0x2] =	stream.indirect.gather [hbm4b:s3+s5], $0x20, s20, s5, $0xb8;
	[tilespmem:$0x1D400] =	vst v63  }
0x242: {  	_ =	swait.ge [sflag:s19], $0xD000  }
0x243: {  	[sflag:s19] =	ssyncset.done $0x0  }
0x244: {  	s14 =	simm.s32 $0x2;
	s26 =	rddreg [dreg:$0x9];
	[sflag:s19] =	ssyncadd.s32 $0xFFFF3000  }
0x245: {  	[hbm4b:s26+s8] =	stream.linear.scatter [tilespmem:s31], [sflag:$0x3], $0xD000, $0x38;
	[tilespmem:$0x1D400] =	vst v63  }
0x246: {  	_ =	swait.ge [sflag:s14], $0xD000  }
0x247: {  	[sflag:s14] =	ssyncset.done $0x0  }
0x248: {  	s10 =	simm.s32 $0x3;
	s28 =	rddreg [dreg:$0xa];
	[sflag:s14] =	ssyncadd.s32 $0xFFFF3000  }
0x249: {  	[hbm4b:s28+s8] =	stream.linear.scatter [tilespmem:s17], [sflag:$0x4], $0xD000, $0x38;
	[tilespmem:$0x1D400] =	vst v63  }
0x24a: {  	_ =	swait.ge [sflag:s10], $0xD000  }
0x24b: {  	s15 =	sld [smem:$0x7E4]  }
0x24c: {  	[sflag:s10] =	ssyncset.done $0x0  }
0x24d: {  	s23 =	sld [smem:$0x7E5];
	[sflag:s10] =	ssyncadd.s32 $0xFFFF3000  }
0x24e: {  	[tilespmem:s31], [sflag:$0x1] =	stream.indirect.gather [hbm4b:s3+s5], $0x20, s15, s5, $0xb8;
	[tilespmem:$0x1D400] =	vst v63  }
0x24f: {  	s26 =	simm.s32 $0x4400;
	s13 =	sld [smem:$0x7E6]  }
0x250: {  	[tilespmem:s26], [sflag:$0x1] =	stream.indirect.gather [hbm4b:s3+s5], $0x20, s23, s5, $0xb8;
	[tilespmem:$0x1D400] =	vst v63  }
0x251: {  	s28 =	simm.s32 $0x5400;
	s15 =	sld [smem:$0x7E7]  }
0x252: {  	[tilespmem:s28], [sflag:$0x1] =	stream.indirect.gather [hbm4b:s3+s5], $0x20, s13, s5, $0xb8;
	[tilespmem:$0x1D400] =	vst v63  }
0x253: {  	s26 =	simm.s32 $0x6400;
	s13 =	sld [smem:$0x7E8]  }
0x254: {  	[tilespmem:s26], [sflag:$0x1] =	stream.indirect.gather [hbm4b:s3+s5], $0x20, s15, s5, $0xb8;
	[tilespmem:$0x1D400] =	vst v63  }
0x255: {  	s28 =	simm.s32 $0x7400;
	s15 =	sld [smem:$0x7E9]  }
0x256: {  	[tilespmem:s28], [sflag:$0x1] =	stream.indirect.gather [hbm4b:s3+s5], $0x20, s13, s5, $0xb8;
	[tilespmem:$0x1D400] =	vst v63  }
0x257: {  	s26 =	simm.s32 $0x8400;
	s13 =	sld [smem:$0x7EA]  }
0x258: {  	[tilespmem:s26], [sflag:$0x1] =	stream.indirect.gather [hbm4b:s3+s5], $0x20, s15, s5, $0xb8;
	[tilespmem:$0x1D400] =	vst v63  }
0x259: {  	s28 =	simm.s32 $0x9400;
	s15 =	sld [smem:$0x7EB]  }
0x25a: {  	[tilespmem:s28], [sflag:$0x1] =	stream.indirect.gather [hbm4b:s3+s5], $0x20, s13, s5, $0xb8;
	[tilespmem:$0x1D400] =	vst v63  }
0x25b: {  	s30 =	simm.s32 $0xA400;
	s26 =	sld [smem:$0x7EC]  }
0x25c: {  	[tilespmem:s30], [sflag:$0x1] =	stream.indirect.gather [hbm4b:s3+s5], $0x20, s15, s5, $0xb8;
	[tilespmem:$0x1D400] =	vst v63  }
0x25d: {  	s29 =	simm.s32 $0xB400;
	s28 =	sld [smem:$0x7ED]  }
0x25e: {  	[tilespmem:s29], [sflag:$0x1] =	stream.indirect.gather [hbm4b:s3+s5], $0x20, s26, s5, $0xb8;
	[tilespmem:$0x1D400] =	vst v63  }
0x25f: {  	s9 =	simm.s32 $0xC400;
	s30 =	sld [smem:$0x7EE]  }
0x260: {  	[tilespmem:s9], [sflag:$0x1] =	stream.indirect.gather [hbm4b:s3+s5], $0x20, s28, s5, $0xb8;
	[tilespmem:$0x1D400] =	vst v63  }
0x261: {  	s11 =	simm.s32 $0xD400;
	s9 =	sld [smem:$0x7EF]  }
0x262: {  	[tilespmem:s11], [sflag:$0x1] =	stream.indirect.gather [hbm4b:s3+s5], $0x20, s30, s5, $0xb8;
	[tilespmem:$0x1D400] =	vst v63  }
0x263: {  	s16 =	simm.s32 $0xE400;
	s23 =	sld [smem:$0x7F0]  }
0x264: {  	[tilespmem:s16], [sflag:$0x1] =	stream.indirect.gather [hbm4b:s3+s5], $0x20, s9, s5, $0xb8;
	[tilespmem:$0x1D400] =	vst v63  }
0x265: {  	s8 =	simm.s32 $0x4;
	s26 =	simm.s32 $0xF400  }
0x266: {  	[tilespmem:s26], [sflag:$0x1] =	stream.indirect.gather [hbm4b:s3+s5], $0x20, s23, s5, $0xb8;
	[tilespmem:$0x1D400] =	vst v63  }
0x267: {  	_ =	swait.ge [sflag:s8], $0xD000  }
0x268: {  	s28 =	sld [smem:$0x7F1]  }
0x269: {  	[sflag:s8] =	ssyncset.done $0x0  }
0x26a: {  	s29 =	sld [smem:$0x7F2];
	[sflag:s8] =	ssyncadd.s32 $0xFFFF3000  }
0x26b: {  	[tilespmem:s17], [sflag:$0x2] =	stream.indirect.gather [hbm4b:s3+s5], $0x20, s28, s5, $0xb8;
	[tilespmem:$0x1D400] =	vst v63  }
0x26c: {  	s0 =	simm.s32 $0x11400;
	s30 =	sld [smem:$0x7F3]  }
0x26d: {  	[tilespmem:s0], [sflag:$0x2] =	stream.indirect.gather [hbm4b:s3+s5], $0x20, s29, s5, $0xb8;
	[tilespmem:$0x1D400] =	vst v63  }
0x26e: {  	s25 =	simm.s32 $0x12400;
	s0 =	sld [smem:$0x7F4]  }
0x26f: {  	[tilespmem:s25], [sflag:$0x2] =	stream.indirect.gather [hbm4b:s3+s5], $0x20, s30, s5, $0xb8;
	[tilespmem:$0x1D400] =	vst v63  }
0x270: {  	s18 =	simm.s32 $0x13400;
	s9 =	sld [smem:$0x7F5]  }
0x271: {  	[tilespmem:s18], [sflag:$0x2] =	stream.indirect.gather [hbm4b:s3+s5], $0x20, s0, s5, $0xb8;
	[tilespmem:$0x1D400] =	vst v63  }
0x272: {  	s1 =	simm.s32 $0x14400;
	s11 =	sld [smem:$0x7F6]  }
0x273: {  	[tilespmem:s1], [sflag:$0x2] =	stream.indirect.gather [hbm4b:s3+s5], $0x20, s9, s5, $0xb8;
	[tilespmem:$0x1D400] =	vst v63  }
0x274: {  	s2 =	simm.s32 $0x15400;
	s16 =	sld [smem:$0x7F7]  }
0x275: {  	[tilespmem:s2], [sflag:$0x2] =	stream.indirect.gather [hbm4b:s3+s5], $0x20, s11, s5, $0xb8;
	[tilespmem:$0x1D400] =	vst v63  }
0x276: {  	s24 =	simm.s32 $0x16400;
	s18 =	sld [smem:$0x7F8]  }
0x277: {  	[tilespmem:s24], [sflag:$0x2] =	stream.indirect.gather [hbm4b:s3+s5], $0x20, s16, s5, $0xb8;
	[tilespmem:$0x1D400] =	vst v63  }
0x278: {  	s7 =	simm.s32 $0x17400;
	s23 =	sld [smem:$0x7F9]  }
0x279: {  	[tilespmem:s7], [sflag:$0x2] =	stream.indirect.gather [hbm4b:s3+s5], $0x20, s18, s5, $0xb8;
	[tilespmem:$0x1D400] =	vst v63  }
0x27a: {  	s4 =	simm.s32 $0x18400;
	s24 =	sld [smem:$0x7FA]  }
0x27b: {  	[tilespmem:s4], [sflag:$0x2] =	stream.indirect.gather [hbm4b:s3+s5], $0x20, s23, s5, $0xb8;
	[tilespmem:$0x1D400] =	vst v63  }
0x27c: {  	s6 =	simm.s32 $0x19400;
	s25 =	sld [smem:$0x7FB]  }
0x27d: {  	[tilespmem:s6], [sflag:$0x2] =	stream.indirect.gather [hbm4b:s3+s5], $0x20, s24, s5, $0xb8;
	[tilespmem:$0x1D400] =	vst v63  }
0x27e: {  	s21 =	simm.s32 $0x1A400;
	s26 =	sld [smem:$0x7FC]  }
0x27f: {  	[tilespmem:s21], [sflag:$0x2] =	stream.indirect.gather [hbm4b:s3+s5], $0x20, s25, s5, $0xb8;
	[tilespmem:$0x1D400] =	vst v63  }
0x280: {  	s22 =	simm.s32 $0x1B400;
	s28 =	sld [smem:$0x7FD]  }
0x281: {  	[tilespmem:s22], [sflag:$0x2] =	stream.indirect.gather [hbm4b:s3+s5], $0x20, s26, s5, $0xb8;
	[tilespmem:$0x1D400] =	vst v63  }
0x282: {  	s20 =	simm.s32 $0x1C400  }
0x283: {  	[tilespmem:s20], [sflag:$0x2] =	stream.indirect.gather [hbm4b:s3+s5], $0x20, s28, s5, $0xb8;
	[tilespmem:$0x1D400] =	vst v63  }
0x284: {  	_ =	swait.ge [sflag:s19], $0xD000  }
0x285: {  	[sflag:s19] =	ssyncset.done $0x0  }
0x286: {  	s2 =	simm.s32 $0x0;
	s29 =	rddreg [dreg:$0x4];
	[sflag:s19] =	ssyncadd.s32 $0xFFFF3000  }
0x287: {  	[hbm4b:s29+s2] =	stream.linear.scatter [tilespmem:s31], [sflag:$0x3], $0xD000, $0x38;
	[tilespmem:$0x1D400] =	vst v63  }
0x288: {  	_ =	swait.ge [sflag:s14], $0xD000  }
0x289: {  	[sflag:s14] =	ssyncset.done $0x0  }
0x28a: {  	p1 =	sne.s32 s12, $0x1;
	s30 =	rddreg [dreg:$0x5];
	[sflag:s14] =	ssyncadd.s32 $0xFFFF3000  }
0x28b: {  	[hbm4b:s30+s2] =	stream.linear.scatter [tilespmem:s17], [sflag:$0x4], $0xD000, $0x38;
	[tilespmem:$0x1D400] =	vst v63  }
.Ltmp2:
0x28c: {  	_ =	swait.ge [sflag:s10], $0xD000;
	(pc) =	sbr.rel @p1 .LBB2_4-.Ltmp2, $4  }
0x28d: {  	[sflag:s10] =	ssyncset.done $0x0  }
0x28e: {  	[sflag:s10] =	ssyncadd.s32 $0xFFFF3000  }
0x28f: {  	_ =	swait.ge [sflag:s8], $0xD000  }
0x290: {  	s12 =	sadd.s32 $0xFFFFFFFF, s12;
	s13 =	rddreg [dreg:$0x3];
	[sflag:s8] =	ssyncset.done $0x0  }
0x291: {  	s15 =	sld [smem:$0x7AC];
	s31 =	simm.s32 $0x12400;
	s0 =	simm.s32 $0x1A400  }
0x292: {  	s1 =	simm.s32 $0x19400;
	s11 =	simm.s32 $0x18400;
	s7 =	simm.s32 $0x3400  }
.LBB2_6:
0x293: {  	[sflag:s8] =	ssyncadd.s32 @p0 $0xFFFF3000;
	s4 =	simm.s32 $0x5  }
0x294: {  	[tilespmem:s2], [sflag:$0x5] =	stream.linear.gather [hbm4b:s13+s2], $0x3400, $0x38;
	[tilespmem:$0x1D400] =	vst v63  }
0x295: {  	_ =	swait.ge [sflag:s4], $0x3400  }
0x296: {  	[sflag:s4] =	ssyncset.done $0x0  }
0x297: {  	[sflag:s4] =	ssyncadd.s32 $0xFFFFCC00  }
0x298: {  	[tilespmem:s7], [sflag:$0x1] =	stream.indirect.gather [hbm4b:s3+s5], $0x20, s2, s5, $0xb8;
	[tilespmem:$0x1D400] =	vst v63  }
0x299: {  	s29 =	simm.s32 $0x4400;
	s12 =	rddreg [dreg:$0xb]  }
0x29a: {  	[tilespmem:s29], [sflag:$0x1] =	stream.indirect.gather [hbm4b:s3+s5], $0x20, s5, s5, $0xb8;
	[tilespmem:$0x1D400] =	vst v63  }
0x29b: {  	s17 =	simm.s32 $0x5400;
	s21 =	rddreg [dreg:$0xc]  }
0x29c: {  	[tilespmem:s17], [sflag:$0x1] =	stream.indirect.gather [hbm4b:s3+s5], $0x20, s12, s5, $0xb8;
	[tilespmem:$0x1D400] =	vst v63  }
0x29d: {  	s18 =	simm.s32 $0x6400;
	s22 =	rddreg [dreg:$0xd]  }
0x29e: {  	[tilespmem:s18], [sflag:$0x1] =	stream.indirect.gather [hbm4b:s3+s5], $0x20, s21, s5, $0xb8;
	[tilespmem:$0x1D400] =	vst v63  }
0x29f: {  	s20 =	simm.s32 $0x7400;
	s23 =	rddreg [dreg:$0xe]  }
0x2a0: {  	[tilespmem:s20], [sflag:$0x1] =	stream.indirect.gather [hbm4b:s3+s5], $0x20, s22, s5, $0xb8;
	[tilespmem:$0x1D400] =	vst v63  }
0x2a1: {  	s24 =	rddreg [dreg:$0xf];
	s21 =	simm.s32 $0x8400  }
0x2a2: {  	[tilespmem:s21], [sflag:$0x1] =	stream.indirect.gather [hbm4b:s3+s5], $0x20, s23, s5, $0xb8;
	[tilespmem:$0x1D400] =	vst v63  }
0x2a3: {  	s25 =	rddreg [dreg:$0x10];
	s22 =	simm.s32 $0x9400  }
0x2a4: {  	[tilespmem:s22], [sflag:$0x1] =	stream.indirect.gather [hbm4b:s3+s5], $0x20, s24, s5, $0xb8;
	[tilespmem:$0x1D400] =	vst v63  }
0x2a5: {  	s26 =	rddreg [dreg:$0x11];
	s23 =	simm.s32 $0xA400  }
0x2a6: {  	[tilespmem:s23], [sflag:$0x1] =	stream.indirect.gather [hbm4b:s3+s5], $0x20, s25, s5, $0xb8;
	[tilespmem:$0x1D400] =	vst v63  }
0x2a7: {  	s28 =	rddreg [dreg:$0x12];
	s24 =	simm.s32 $0xB400  }
0x2a8: {  	[tilespmem:s24], [sflag:$0x1] =	stream.indirect.gather [hbm4b:s3+s5], $0x20, s26, s5, $0xb8;
	[tilespmem:$0x1D400] =	vst v63  }
0x2a9: {  	s30 =	rddreg [dreg:$0x13];
	s25 =	simm.s32 $0xC400  }
0x2aa: {  	[tilespmem:s25], [sflag:$0x1] =	stream.indirect.gather [hbm4b:s3+s5], $0x20, s28, s5, $0xb8;
	[tilespmem:$0x1D400] =	vst v63  }
0x2ab: {  	s6 =	rddreg [dreg:$0x15];
	s26 =	simm.s32 $0xD400  }
0x2ac: {  	[tilespmem:s26], [sflag:$0x1] =	stream.indirect.gather [hbm4b:s3+s5], $0x20, s30, s5, $0xb8;
	[tilespmem:$0x1D400] =	vst v63  }
0x2ad: {  	s4 =	rddreg [dreg:$0x14];
	s28 =	simm.s32 $0xE400  }
0x2ae: {  	[tilespmem:s28], [sflag:$0x1] =	stream.indirect.gather [hbm4b:s3+s5], $0x20, s4, s5, $0xb8;
	[tilespmem:$0x1D400] =	vst v63  }
0x2af: {  	s16 =	simm.s32 $0xF400;
	s9 =	rddreg [dreg:$0x16]  }
0x2b0: {  	[tilespmem:s16], [sflag:$0x1] =	stream.indirect.gather [hbm4b:s3+s5], $0x20, s6, s5, $0xb8;
	[tilespmem:$0x1D400] =	vst v63  }
0x2b1: {  	s13 =	rddreg [dreg:$0x1a];
	s4 =	simm.s32 $0x10400  }
0x2b2: {  	[tilespmem:s4], [sflag:$0x2] =	stream.indirect.gather [hbm4b:s3+s5], $0x20, s9, s5, $0xb8;
	[tilespmem:$0x1D400] =	vst v63  }
0x2b3: {  	s30 =	rddreg [dreg:$0x17];
	s6 =	simm.s32 $0x11400  }
0x2b4: {  	[tilespmem:s6], [sflag:$0x2] =	stream.indirect.gather [hbm4b:s3+s5], $0x20, s30, s5, $0xb8;
	[tilespmem:$0x1D400] =	vst v63  }
0x2b5: {  	s9 =	rddreg [dreg:$0x18]  }
0x2b6: {  	[tilespmem:s31], [sflag:$0x2] =	stream.indirect.gather [hbm4b:s3+s5], $0x20, s9, s5, $0xb8;
	[tilespmem:$0x1D400] =	vst v63  }
0x2b7: {  	s30 =	rddreg [dreg:$0x19];
	s9 =	simm.s32 $0x13400  }
0x2b8: {  	[tilespmem:s9], [sflag:$0x2] =	stream.indirect.gather [hbm4b:s3+s5], $0x20, s30, s5, $0xb8;
	[tilespmem:$0x1D400] =	vst v63  }
0x2b9: {  	s12 =	rddreg [dreg:$0x1d];
	s31 =	simm.s32 $0x14400  }
0x2ba: {  	[tilespmem:s31], [sflag:$0x2] =	stream.indirect.gather [hbm4b:s3+s5], $0x20, s13, s5, $0xb8;
	[tilespmem:$0x1D400] =	vst v63  }
0x2bb: {  	s30 =	rddreg [dreg:$0x1b];
	s31 =	simm.s32 $0x15400  }
0x2bc: {  	[tilespmem:s31], [sflag:$0x2] =	stream.indirect.gather [hbm4b:s3+s5], $0x20, s30, s5, $0xb8;
	[tilespmem:$0x1D400] =	vst v63  }
0x2bd: {  	s9 =	rddreg [dreg:$0x1c];
	s30 =	simm.s32 $0x16400  }
0x2be: {  	[tilespmem:s30], [sflag:$0x2] =	stream.indirect.gather [hbm4b:s3+s5], $0x20, s9, s5, $0xb8;
	[tilespmem:$0x1D400] =	vst v63  }
0x2bf: {  	s13 =	rddreg [dreg:$0x1e];
	s9 =	simm.s32 $0x17400  }
0x2c0: {  	[tilespmem:s9], [sflag:$0x2] =	stream.indirect.gather [hbm4b:s3+s5], $0x20, s12, s5, $0xb8;
	[tilespmem:$0x1D400] =	vst v63  }
0x2c1: {  	s30 =	sld [smem:$0x7AD]  }
0x2c2: {  	[tilespmem:s11], [sflag:$0x2] =	stream.indirect.gather [hbm4b:s3+s5], $0x20, s13, s5, $0xb8;
	[tilespmem:$0x1D400] =	vst v63  }
0x2c3: {  	s9 =	rddreg [dreg:$0x1f]  }
0x2c4: {  	[tilespmem:s1], [sflag:$0x2] =	stream.indirect.gather [hbm4b:s3+s5], $0x20, s9, s5, $0xb8;
	[tilespmem:$0x1D400] =	vst v63  }
0x2c5: {  	s1 =	sld [smem:$0x7AE]  }
0x2c6: {  	[tilespmem:s0], [sflag:$0x2] =	stream.indirect.gather [hbm4b:s3+s5], $0x20, s30, s5, $0xb8;
	[tilespmem:$0x1D400] =	vst v63  }
0x2c7: {  	s13 =	sld [smem:$0x7AF];
	s9 =	simm.s32 $0x1B400  }
0x2c8: {  	[tilespmem:s9], [sflag:$0x2] =	stream.indirect.gather [hbm4b:s3+s5], $0x20, s1, s5, $0xb8;
	[tilespmem:$0x1D400] =	vst v63  }
0x2c9: {  	s30 =	simm.s32 $0x1C400  }
0x2ca: {  	[tilespmem:s30], [sflag:$0x2] =	stream.indirect.gather [hbm4b:s3+s5], $0x20, s13, s5, $0xb8;
	[tilespmem:$0x1D400] =	vst v63  }
0x2cb: {  	_ =	swait.ge [sflag:s19], $0xD000  }
0x2cc: {  	[sflag:s19] =	ssyncset.done $0x0  }
0x2cd: {  	s7 =	simm.s32 $0x3400;
	[sflag:s19] =	ssyncadd.s32 $0xFFFF3000  }
0x2ce: {  	[hbm4b:s15+s2] =	stream.linear.scatter [tilespmem:s7], [sflag:$0x3], $0xD000, $0x38;
	[tilespmem:$0x1D400] =	vst v63  }
0x2cf: {  	_ =	swait.ge [sflag:s14], $0xD000  }
0x2d0: {  	[sflag:s14] =	ssyncset.done $0x0  }
0x2d1: {  	s0 =	rddreg [dreg:$0x6];
	[sflag:s14] =	ssyncadd.s32 $0xFFFF3000  }
0x2d2: {  	[hbm4b:s0+s2] =	stream.linear.scatter [tilespmem:s4], [sflag:$0x4], $0xD000, $0x38;
	[tilespmem:$0x1D400] =	vst v63  }
0x2d3: {  	_ =	swait.ge [sflag:s10], $0xD000  }
0x2d4: {  	s13 =	sld [smem:$0x7B0]  }
0x2d5: {  	[sflag:s10] =	ssyncset.done $0x0  }
0x2d6: {  	s15 =	sld [smem:$0x7B1];
	[sflag:s10] =	ssyncadd.s32 $0xFFFF3000  }
0x2d7: {  	[tilespmem:s7], [sflag:$0x1] =	stream.indirect.gather [hbm4b:s3+s5], $0x20, s13, s5, $0xb8;
	[tilespmem:$0x1D400] =	vst v63  }
0x2d8: {  	s0 =	sld [smem:$0x7B2]  }
0x2d9: {  	[tilespmem:s29], [sflag:$0x1] =	stream.indirect.gather [hbm4b:s3+s5], $0x20, s15, s5, $0xb8;
	[tilespmem:$0x1D400] =	vst v63  }
0x2da: {  	s15 =	sld [smem:$0x7B3]  }
0x2db: {  	[tilespmem:s17], [sflag:$0x1] =	stream.indirect.gather [hbm4b:s3+s5], $0x20, s0, s5, $0xb8;
	[tilespmem:$0x1D400] =	vst v63  }
0x2dc: {  	s0 =	sld [smem:$0x7B4]  }
0x2dd: {  	[tilespmem:s18], [sflag:$0x1] =	stream.indirect.gather [hbm4b:s3+s5], $0x20, s15, s5, $0xb8;
	[tilespmem:$0x1D400] =	vst v63  }
0x2de: {  	s15 =	sld [smem:$0x7B5]  }
0x2df: {  	[tilespmem:s20], [sflag:$0x1] =	stream.indirect.gather [hbm4b:s3+s5], $0x20, s0, s5, $0xb8;
	[tilespmem:$0x1D400] =	vst v63  }
0x2e0: {  	s0 =	sld [smem:$0x7B6]  }
0x2e1: {  	[tilespmem:s21], [sflag:$0x1] =	stream.indirect.gather [hbm4b:s3+s5], $0x20, s15, s5, $0xb8;
	[tilespmem:$0x1D400] =	vst v63  }
0x2e2: {  	s15 =	sld [smem:$0x7B7]  }
0x2e3: {  	[tilespmem:s22], [sflag:$0x1] =	stream.indirect.gather [hbm4b:s3+s5], $0x20, s0, s5, $0xb8;
	[tilespmem:$0x1D400] =	vst v63  }
0x2e4: {  	s0 =	sld [smem:$0x7B8]  }
0x2e5: {  	[tilespmem:s23], [sflag:$0x1] =	stream.indirect.gather [hbm4b:s3+s5], $0x20, s15, s5, $0xb8;
	[tilespmem:$0x1D400] =	vst v63  }
0x2e6: {  	s15 =	sld [smem:$0x7B9]  }
0x2e7: {  	[tilespmem:s24], [sflag:$0x1] =	stream.indirect.gather [hbm4b:s3+s5], $0x20, s0, s5, $0xb8;
	[tilespmem:$0x1D400] =	vst v63  }
0x2e8: {  	s0 =	sld [smem:$0x7BA]  }
0x2e9: {  	[tilespmem:s25], [sflag:$0x1] =	stream.indirect.gather [hbm4b:s3+s5], $0x20, s15, s5, $0xb8;
	[tilespmem:$0x1D400] =	vst v63  }
0x2ea: {  	s15 =	sld [smem:$0x7BB]  }
0x2eb: {  	[tilespmem:s26], [sflag:$0x1] =	stream.indirect.gather [hbm4b:s3+s5], $0x20, s0, s5, $0xb8;
	[tilespmem:$0x1D400] =	vst v63  }
0x2ec: {  	s0 =	sld [smem:$0x7BC]  }
0x2ed: {  	[tilespmem:s28], [sflag:$0x1] =	stream.indirect.gather [hbm4b:s3+s5], $0x20, s15, s5, $0xb8;
	[tilespmem:$0x1D400] =	vst v63  }
0x2ee: {  	_ = 	snop  }
0x2ef: {  	[tilespmem:s16], [sflag:$0x1] =	stream.indirect.gather [hbm4b:s3+s5], $0x20, s0, s5, $0xb8;
	[tilespmem:$0x1D400] =	vst v63  }
0x2f0: {  	_ =	swait.ge [sflag:s8], $0xD000  }
0x2f1: {  	s15 =	sld [smem:$0x7BD]  }
0x2f2: {  	[sflag:s8] =	ssyncset.done $0x0  }
0x2f3: {  	s0 =	sld [smem:$0x7BE];
	[sflag:s8] =	ssyncadd.s32 $0xFFFF3000  }
0x2f4: {  	[tilespmem:s4], [sflag:$0x2] =	stream.indirect.gather [hbm4b:s3+s5], $0x20, s15, s5, $0xb8;
	[tilespmem:$0x1D400] =	vst v63  }
0x2f5: {  	s6 =	simm.s32 $0x11400;
	s15 =	sld [smem:$0x7BF]  }
0x2f6: {  	[tilespmem:s6], [sflag:$0x2] =	stream.indirect.gather [hbm4b:s3+s5], $0x20, s0, s5, $0xb8;
	[tilespmem:$0x1D400] =	vst v63  }
0x2f7: {  	s1 =	simm.s32 $0x12400;
	s0 =	sld [smem:$0x7C0]  }
0x2f8: {  	[tilespmem:s1], [sflag:$0x2] =	stream.indirect.gather [hbm4b:s3+s5], $0x20, s15, s5, $0xb8;
	[tilespmem:$0x1D400] =	vst v63  }
0x2f9: {  	s6 =	simm.s32 $0x13400;
	s15 =	sld [smem:$0x7C1]  }
0x2fa: {  	[tilespmem:s6], [sflag:$0x2] =	stream.indirect.gather [hbm4b:s3+s5], $0x20, s0, s5, $0xb8;
	[tilespmem:$0x1D400] =	vst v63  }
0x2fb: {  	s1 =	simm.s32 $0x14400;
	s0 =	sld [smem:$0x7C2]  }
0x2fc: {  	[tilespmem:s1], [sflag:$0x2] =	stream.indirect.gather [hbm4b:s3+s5], $0x20, s15, s5, $0xb8;
	[tilespmem:$0x1D400] =	vst v63  }
0x2fd: {  	s15 =	sld [smem:$0x7C3]  }
0x2fe: {  	[tilespmem:s31], [sflag:$0x2] =	stream.indirect.gather [hbm4b:s3+s5], $0x20, s0, s5, $0xb8;
	[tilespmem:$0x1D400] =	vst v63  }
0x2ff: {  	s13 =	sld [smem:$0x7C4];
	s0 =	simm.s32 $0x16400  }
0x300: {  	[tilespmem:s0], [sflag:$0x2] =	stream.indirect.gather [hbm4b:s3+s5], $0x20, s15, s5, $0xb8;
	[tilespmem:$0x1D400] =	vst v63  }
0x301: {  	s12 =	sld [smem:$0x7C5];
	s15 =	simm.s32 $0x17400  }
0x302: {  	[tilespmem:s15], [sflag:$0x2] =	stream.indirect.gather [hbm4b:s3+s5], $0x20, s13, s5, $0xb8;
	[tilespmem:$0x1D400] =	vst v63  }
0x303: {  	s13 =	sld [smem:$0x7C6]  }
0x304: {  	[tilespmem:s11], [sflag:$0x2] =	stream.indirect.gather [hbm4b:s3+s5], $0x20, s12, s5, $0xb8;
	[tilespmem:$0x1D400] =	vst v63  }
0x305: {  	s15 =	simm.s32 $0x19400;
	s12 =	sld [smem:$0x7C7]  }
0x306: {  	[tilespmem:s15], [sflag:$0x2] =	stream.indirect.gather [hbm4b:s3+s5], $0x20, s13, s5, $0xb8;
	[tilespmem:$0x1D400] =	vst v63  }
0x307: {  	s9 =	simm.s32 $0x1A400;
	s13 =	sld [smem:$0x7C8]  }
0x308: {  	[tilespmem:s9], [sflag:$0x2] =	stream.indirect.gather [hbm4b:s3+s5], $0x20, s12, s5, $0xb8;
	[tilespmem:$0x1D400] =	vst v63  }
0x309: {  	s12 =	sld [smem:$0x7C9];
	s9 =	simm.s32 $0x1B400  }
0x30a: {  	[tilespmem:s9], [sflag:$0x2] =	stream.indirect.gather [hbm4b:s3+s5], $0x20, s13, s5, $0xb8;
	[tilespmem:$0x1D400] =	vst v63  }
0x30b: {  	s30 =	simm.s32 $0x1C400  }
0x30c: {  	[tilespmem:s30], [sflag:$0x2] =	stream.indirect.gather [hbm4b:s3+s5], $0x20, s12, s5, $0xb8;
	[tilespmem:$0x1D400] =	vst v63  }
0x30d: {  	_ =	swait.ge [sflag:s19], $0xD000  }
0x30e: {  	[sflag:s19] =	ssyncset.done $0x0  }
0x30f: {  	s30 =	rddreg [dreg:$0x7];
	[sflag:s19] =	ssyncadd.s32 $0xFFFF3000  }
0x310: {  	[hbm4b:s30+s2] =	stream.linear.scatter [tilespmem:s7], [sflag:$0x3], $0xD000, $0x38;
	[tilespmem:$0x1D400] =	vst v63  }
0x311: {  	_ =	swait.ge [sflag:s14], $0xD000  }
0x312: {  	[sflag:s14] =	ssyncset.done $0x0  }
0x313: {  	s9 =	rddreg [dreg:$0x8];
	[sflag:s14] =	ssyncadd.s32 $0xFFFF3000  }
0x314: {  	[hbm4b:s9+s2] =	stream.linear.scatter [tilespmem:s4], [sflag:$0x4], $0xD000, $0x38;
	[tilespmem:$0x1D400] =	vst v63  }
0x315: {  	_ =	swait.ge [sflag:s10], $0xD000  }
0x316: {  	s13 =	sld [smem:$0x7CA]  }
0x317: {  	[sflag:s10] =	ssyncset.done $0x0  }
0x318: {  	s30 =	sld [smem:$0x7CB];
	[sflag:s10] =	ssyncadd.s32 $0xFFFF3000  }
0x319: {  	[tilespmem:s7], [sflag:$0x1] =	stream.indirect.gather [hbm4b:s3+s5], $0x20, s13, s5, $0xb8;
	[tilespmem:$0x1D400] =	vst v63  }
0x31a: {  	s9 =	sld [smem:$0x7CC]  }
0x31b: {  	[tilespmem:s29], [sflag:$0x1] =	stream.indirect.gather [hbm4b:s3+s5], $0x20, s30, s5, $0xb8;
	[tilespmem:$0x1D400] =	vst v63  }
0x31c: {  	s30 =	sld [smem:$0x7CD]  }
0x31d: {  	[tilespmem:s17], [sflag:$0x1] =	stream.indirect.gather [hbm4b:s3+s5], $0x20, s9, s5, $0xb8;
	[tilespmem:$0x1D400] =	vst v63  }
0x31e: {  	s9 =	sld [smem:$0x7CE]  }
0x31f: {  	[tilespmem:s18], [sflag:$0x1] =	stream.indirect.gather [hbm4b:s3+s5], $0x20, s30, s5, $0xb8;
	[tilespmem:$0x1D400] =	vst v63  }
0x320: {  	s30 =	sld [smem:$0x7CF]  }
0x321: {  	[tilespmem:s20], [sflag:$0x1] =	stream.indirect.gather [hbm4b:s3+s5], $0x20, s9, s5, $0xb8;
	[tilespmem:$0x1D400] =	vst v63  }
0x322: {  	s9 =	sld [smem:$0x7D0]  }
0x323: {  	[tilespmem:s21], [sflag:$0x1] =	stream.indirect.gather [hbm4b:s3+s5], $0x20, s30, s5, $0xb8;
	[tilespmem:$0x1D400] =	vst v63  }
0x324: {  	s30 =	sld [smem:$0x7D1]  }
0x325: {  	[tilespmem:s22], [sflag:$0x1] =	stream.indirect.gather [hbm4b:s3+s5], $0x20, s9, s5, $0xb8;
	[tilespmem:$0x1D400] =	vst v63  }
0x326: {  	s9 =	sld [smem:$0x7D2]  }
0x327: {  	[tilespmem:s23], [sflag:$0x1] =	stream.indirect.gather [hbm4b:s3+s5], $0x20, s30, s5, $0xb8;
	[tilespmem:$0x1D400] =	vst v63  }
0x328: {  	s30 =	sld [smem:$0x7D3]  }
0x329: {  	[tilespmem:s24], [sflag:$0x1] =	stream.indirect.gather [hbm4b:s3+s5], $0x20, s9, s5, $0xb8;
	[tilespmem:$0x1D400] =	vst v63  }
0x32a: {  	s9 =	sld [smem:$0x7D4]  }
0x32b: {  	[tilespmem:s25], [sflag:$0x1] =	stream.indirect.gather [hbm4b:s3+s5], $0x20, s30, s5, $0xb8;
	[tilespmem:$0x1D400] =	vst v63  }
0x32c: {  	s30 =	sld [smem:$0x7D5]  }
0x32d: {  	[tilespmem:s26], [sflag:$0x1] =	stream.indirect.gather [hbm4b:s3+s5], $0x20, s9, s5, $0xb8;
	[tilespmem:$0x1D400] =	vst v63  }
0x32e: {  	s9 =	sld [smem:$0x7D6]  }
0x32f: {  	[tilespmem:s28], [sflag:$0x1] =	stream.indirect.gather [hbm4b:s3+s5], $0x20, s30, s5, $0xb8;
	[tilespmem:$0x1D400] =	vst v63  }
0x330: {  	_ = 	snop  }
0x331: {  	[tilespmem:s16], [sflag:$0x1] =	stream.indirect.gather [hbm4b:s3+s5], $0x20, s9, s5, $0xb8;
	[tilespmem:$0x1D400] =	vst v63  }
0x332: {  	_ =	swait.ge [sflag:s8], $0xD000  }
0x333: {  	s30 =	sld [smem:$0x7D7]  }
0x334: {  	[sflag:s8] =	ssyncset.done $0x0  }
0x335: {  	s9 =	sld [smem:$0x7D8];
	[sflag:s8] =	ssyncadd.s32 $0xFFFF3000  }
0x336: {  	[tilespmem:s4], [sflag:$0x2] =	stream.indirect.gather [hbm4b:s3+s5], $0x20, s30, s5, $0xb8;
	[tilespmem:$0x1D400] =	vst v63  }
0x337: {  	s12 =	sld [smem:$0x7D9];
	s30 =	simm.s32 $0x11400  }
0x338: {  	[tilespmem:s30], [sflag:$0x2] =	stream.indirect.gather [hbm4b:s3+s5], $0x20, s9, s5, $0xb8;
	[tilespmem:$0x1D400] =	vst v63  }
0x339: {  	s13 =	sld [smem:$0x7DA];
	s30 =	simm.s32 $0x12400  }
0x33a: {  	[tilespmem:s30], [sflag:$0x2] =	stream.indirect.gather [hbm4b:s3+s5], $0x20, s12, s5, $0xb8;
	[tilespmem:$0x1D400] =	vst v63  }
0x33b: {  	s12 =	sld [smem:$0x7DB]  }
0x33c: {  	[tilespmem:s6], [sflag:$0x2] =	stream.indirect.gather [hbm4b:s3+s5], $0x20, s13, s5, $0xb8;
	[tilespmem:$0x1D400] =	vst v63  }
0x33d: {  	s9 =	sld [smem:$0x7DC]  }
0x33e: {  	[tilespmem:s1], [sflag:$0x2] =	stream.indirect.gather [hbm4b:s3+s5], $0x20, s12, s5, $0xb8;
	[tilespmem:$0x1D400] =	vst v63  }
0x33f: {  	s6 =	sld [smem:$0x7DD]  }
0x340: {  	[tilespmem:s31], [sflag:$0x2] =	stream.indirect.gather [hbm4b:s3+s5], $0x20, s9, s5, $0xb8;
	[tilespmem:$0x1D400] =	vst v63  }
0x341: {  	s13 =	sld [smem:$0x7DE]  }
0x342: {  	[tilespmem:s0], [sflag:$0x2] =	stream.indirect.gather [hbm4b:s3+s5], $0x20, s6, s5, $0xb8;
	[tilespmem:$0x1D400] =	vst v63  }
0x343: {  	s12 =	sld [smem:$0x7DF];
	s9 =	simm.s32 $0x17400  }
0x344: {  	[tilespmem:s9], [sflag:$0x2] =	stream.indirect.gather [hbm4b:s3+s5], $0x20, s13, s5, $0xb8;
	[tilespmem:$0x1D400] =	vst v63  }
0x345: {  	s13 =	sld [smem:$0x7E0]  }
0x346: {  	[tilespmem:s11], [sflag:$0x2] =	stream.indirect.gather [hbm4b:s3+s5], $0x20, s12, s5, $0xb8;
	[tilespmem:$0x1D400] =	vst v63  }
0x347: {  	s0 =	sld [smem:$0x7E1]  }
0x348: {  	[tilespmem:s15], [sflag:$0x2] =	stream.indirect.gather [hbm4b:s3+s5], $0x20, s13, s5, $0xb8;
	[tilespmem:$0x1D400] =	vst v63  }
0x349: {  	s11 =	simm.s32 $0x1A400;
	s13 =	sld [smem:$0x7E2]  }
0x34a: {  	[tilespmem:s11], [sflag:$0x2] =	stream.indirect.gather [hbm4b:s3+s5], $0x20, s0, s5, $0xb8;
	[tilespmem:$0x1D400] =	vst v63  }
0x34b: {  	s12 =	sld [smem:$0x7E3];
	s11 =	simm.s32 $0x1B400  }
0x34c: {  	[tilespmem:s11], [sflag:$0x2] =	stream.indirect.gather [hbm4b:s3+s5], $0x20, s13, s5, $0xb8;
	[tilespmem:$0x1D400] =	vst v63  }
0x34d: {  	s13 =	simm.s32 $0x1C400  }
0x34e: {  	[tilespmem:s13], [sflag:$0x2] =	stream.indirect.gather [hbm4b:s3+s5], $0x20, s12, s5, $0xb8;
	[tilespmem:$0x1D400] =	vst v63  }
0x34f: {  	_ =	swait.ge [sflag:s19], $0xD000  }
0x350: {  	[sflag:s19] =	ssyncset.done $0x0  }
0x351: {  	s11 =	rddreg [dreg:$0x9];
	[sflag:s19] =	ssyncadd.s32 $0xFFFF3000  }
0x352: {  	[hbm4b:s11+s2] =	stream.linear.scatter [tilespmem:s7], [sflag:$0x3], $0xD000, $0x38;
	[tilespmem:$0x1D400] =	vst v63  }
0x353: {  	_ =	swait.ge [sflag:s14], $0xD000  }
0x354: {  	[sflag:s14] =	ssyncset.done $0x0  }
0x355: {  	s13 =	rddreg [dreg:$0xa];
	[sflag:s14] =	ssyncadd.s32 $0xFFFF3000  }
0x356: {  	[hbm4b:s13+s2] =	stream.linear.scatter [tilespmem:s4], [sflag:$0x4], $0xD000, $0x38;
	[tilespmem:$0x1D400] =	vst v63  }
0x357: {  	_ =	swait.ge [sflag:s10], $0xD000  }
0x358: {  	s0 =	sld [smem:$0x7E4]  }
0x359: {  	[sflag:s10] =	ssyncset.done $0x0  }
0x35a: {  	s11 =	sld [smem:$0x7E5];
	[sflag:s10] =	ssyncadd.s32 $0xFFFF3000  }
0x35b: {  	[tilespmem:s7], [sflag:$0x1] =	stream.indirect.gather [hbm4b:s3+s5], $0x20, s0, s5, $0xb8;
	[tilespmem:$0x1D400] =	vst v63  }
0x35c: {  	s0 =	sld [smem:$0x7E6]  }
0x35d: {  	[tilespmem:s29], [sflag:$0x1] =	stream.indirect.gather [hbm4b:s3+s5], $0x20, s11, s5, $0xb8;
	[tilespmem:$0x1D400] =	vst v63  }
0x35e: {  	s11 =	sld [smem:$0x7E7]  }
0x35f: {  	[tilespmem:s17], [sflag:$0x1] =	stream.indirect.gather [hbm4b:s3+s5], $0x20, s0, s5, $0xb8;
	[tilespmem:$0x1D400] =	vst v63  }
0x360: {  	s17 =	sld [smem:$0x7E8]  }
0x361: {  	[tilespmem:s18], [sflag:$0x1] =	stream.indirect.gather [hbm4b:s3+s5], $0x20, s11, s5, $0xb8;
	[tilespmem:$0x1D400] =	vst v63  }
0x362: {  	s29 =	sld [smem:$0x7E9]  }
0x363: {  	[tilespmem:s20], [sflag:$0x1] =	stream.indirect.gather [hbm4b:s3+s5], $0x20, s17, s5, $0xb8;
	[tilespmem:$0x1D400] =	vst v63  }
0x364: {  	s0 =	sld [smem:$0x7EA]  }
0x365: {  	[tilespmem:s21], [sflag:$0x1] =	stream.indirect.gather [hbm4b:s3+s5], $0x20, s29, s5, $0xb8;
	[tilespmem:$0x1D400] =	vst v63  }
0x366: {  	s11 =	sld [smem:$0x7EB]  }
0x367: {  	[tilespmem:s22], [sflag:$0x1] =	stream.indirect.gather [hbm4b:s3+s5], $0x20, s0, s5, $0xb8;
	[tilespmem:$0x1D400] =	vst v63  }
0x368: {  	s17 =	sld [smem:$0x7EC]  }
0x369: {  	[tilespmem:s23], [sflag:$0x1] =	stream.indirect.gather [hbm4b:s3+s5], $0x20, s11, s5, $0xb8;
	[tilespmem:$0x1D400] =	vst v63  }
0x36a: {  	s18 =	sld [smem:$0x7ED]  }
0x36b: {  	[tilespmem:s24], [sflag:$0x1] =	stream.indirect.gather [hbm4b:s3+s5], $0x20, s17, s5, $0xb8;
	[tilespmem:$0x1D400] =	vst v63  }
0x36c: {  	s20 =	sld [smem:$0x7EE]  }
0x36d: {  	[tilespmem:s25], [sflag:$0x1] =	stream.indirect.gather [hbm4b:s3+s5], $0x20, s18, s5, $0xb8;
	[tilespmem:$0x1D400] =	vst v63  }
0x36e: {  	s21 =	sld [smem:$0x7EF]  }
0x36f: {  	[tilespmem:s26], [sflag:$0x1] =	stream.indirect.gather [hbm4b:s3+s5], $0x20, s20, s5, $0xb8;
	[tilespmem:$0x1D400] =	vst v63  }
0x370: {  	s22 =	sld [smem:$0x7F0]  }
0x371: {  	[tilespmem:s28], [sflag:$0x1] =	stream.indirect.gather [hbm4b:s3+s5], $0x20, s21, s5, $0xb8;
	[tilespmem:$0x1D400] =	vst v63  }
0x372: {  	_ = 	snop  }
0x373: {  	[tilespmem:s16], [sflag:$0x1] =	stream.indirect.gather [hbm4b:s3+s5], $0x20, s22, s5, $0xb8;
	[tilespmem:$0x1D400] =	vst v63  }
0x374: {  	_ =	swait.ge [sflag:s8], $0xD000  }
0x375: {  	s23 =	sld [smem:$0x7F1]  }
0x376: {  	[sflag:s8] =	ssyncset.done $0x0  }
0x377: {  	s24 =	sld [smem:$0x7F2];
	[sflag:s8] =	ssyncadd.s32 $0xFFFF3000  }
0x378: {  	[tilespmem:s4], [sflag:$0x2] =	stream.indirect.gather [hbm4b:s3+s5], $0x20, s23, s5, $0xb8;
	[tilespmem:$0x1D400] =	vst v63  }
0x379: {  	s26 =	simm.s32 $0x11400;
	s25 =	sld [smem:$0x7F3]  }
0x37a: {  	[tilespmem:s26], [sflag:$0x2] =	stream.indirect.gather [hbm4b:s3+s5], $0x20, s24, s5, $0xb8;
	[tilespmem:$0x1D400] =	vst v63  }
0x37b: {  	s29 =	simm.s32 $0x12400;
	s28 =	sld [smem:$0x7F4]  }
0x37c: {  	[tilespmem:s29], [sflag:$0x2] =	stream.indirect.gather [hbm4b:s3+s5], $0x20, s25, s5, $0xb8;
	[tilespmem:$0x1D400] =	vst v63  }
0x37d: {  	s30 =	simm.s32 $0x13400;
	s0 =	sld [smem:$0x7F5]  }
0x37e: {  	[tilespmem:s30], [sflag:$0x2] =	stream.indirect.gather [hbm4b:s3+s5], $0x20, s28, s5, $0xb8;
	[tilespmem:$0x1D400] =	vst v63  }
0x37f: {  	s1 =	simm.s32 $0x14400;
	s11 =	sld [smem:$0x7F6]  }
0x380: {  	[tilespmem:s1], [sflag:$0x2] =	stream.indirect.gather [hbm4b:s3+s5], $0x20, s0, s5, $0xb8;
	[tilespmem:$0x1D400] =	vst v63  }
0x381: {  	s16 =	sld [smem:$0x7F7]  }
0x382: {  	[tilespmem:s31], [sflag:$0x2] =	stream.indirect.gather [hbm4b:s3+s5], $0x20, s11, s5, $0xb8;
	[tilespmem:$0x1D400] =	vst v63  }
0x383: {  	s6 =	simm.s32 $0x16400;
	s18 =	sld [smem:$0x7F8]  }
0x384: {  	[tilespmem:s6], [sflag:$0x2] =	stream.indirect.gather [hbm4b:s3+s5], $0x20, s16, s5, $0xb8;
	[tilespmem:$0x1D400] =	vst v63  }
0x385: {  	s9 =	simm.s32 $0x17400;
	s20 =	sld [smem:$0x7F9]  }
0x386: {  	[tilespmem:s9], [sflag:$0x2] =	stream.indirect.gather [hbm4b:s3+s5], $0x20, s18, s5, $0xb8;
	[tilespmem:$0x1D400] =	vst v63  }
0x387: {  	s17 =	simm.s32 $0x18400;
	s21 =	sld [smem:$0x7FA]  }
0x388: {  	[tilespmem:s17], [sflag:$0x2] =	stream.indirect.gather [hbm4b:s3+s5], $0x20, s20, s5, $0xb8;
	[tilespmem:$0x1D400] =	vst v63  }
0x389: {  	s15 =	simm.s32 $0x19400;
	s22 =	sld [smem:$0x7FB]  }
0x38a: {  	[tilespmem:s15], [sflag:$0x2] =	stream.indirect.gather [hbm4b:s3+s5], $0x20, s21, s5, $0xb8;
	[tilespmem:$0x1D400] =	vst v63  }
0x38b: {  	s23 =	sld [smem:$0x7FC];
	s24 =	simm.s32 $0x1A400  }
0x38c: {  	[tilespmem:s24], [sflag:$0x2] =	stream.indirect.gather [hbm4b:s3+s5], $0x20, s22, s5, $0xb8;
	[tilespmem:$0x1D400] =	vst v63  }
0x38d: {  	s26 =	simm.s32 $0x1B400;
	s25 =	sld [smem:$0x7FD]  }
0x38e: {  	[tilespmem:s26], [sflag:$0x2] =	stream.indirect.gather [hbm4b:s3+s5], $0x20, s23, s5, $0xb8;
	[tilespmem:$0x1D400] =	vst v63  }
0x38f: {  	s28 =	simm.s32 $0x1C400  }
0x390: {  	[tilespmem:s28], [sflag:$0x2] =	stream.indirect.gather [hbm4b:s3+s5], $0x20, s25, s5, $0xb8;
	[tilespmem:$0x1D400] =	vst v63  }
0x391: {  	_ =	swait.ge [sflag:s19], $0xD000  }
0x392: {  	[sflag:s19] =	ssyncset.done $0x0  }
0x393: {  	s29 =	rddreg [dreg:$0x4];
	[sflag:s19] =	ssyncadd.s32 $0xFFFF3000  }
0x394: {  	[hbm4b:s29+s2] =	stream.linear.scatter [tilespmem:s7], [sflag:$0x3], $0xD000, $0x38;
	[tilespmem:$0x1D400] =	vst v63  }
0x395: {  	_ =	swait.ge [sflag:s14], $0xD000  }
0x396: {  	[sflag:s14] =	ssyncset.done $0x0  }
0x397: {  	s30 =	rddreg [dreg:$0x5];
	[sflag:s14] =	ssyncadd.s32 $0xFFFF3000  }
0x398: {  	[hbm4b:s30+s2] =	stream.linear.scatter [tilespmem:s4], [sflag:$0x4], $0xD000, $0x38;
	[tilespmem:$0x1D400] =	vst v63  }
0x399: {  	_ =	swait.ge [sflag:s10], $0xD000  }
0x39a: {  	[sflag:s10] =	ssyncset.done $0x0  }
0x39b: {  	[sflag:s10] =	ssyncadd.s32 $0xFFFF3000  }
0x39c: {  	_ =	swait.ge [sflag:s8], $0xD000  }
0x39d: {  	[sflag:s8] =	ssyncset.done $0x0  }
0x39e: {  	[sflag:s8] =	ssyncadd.s32 $0xFFFF3000  }
0x39f: {  	_ =	sfence.sel $0x180000  }
0x3a0: {  	[bflag:$0x0] =	sbarrier.arrive $0xFFFF  }
0x3a1: {  	_ =	strace $0x90000047  }
0x3a2: {  	s31 =	stileid.u32;
	[bflag:$0x2] =	sbarrier.arrive $0xFFFF  }
0x3a3: {  	p0 =	sne.s32 s31, $0x0;
	s0 =	rddreg [dreg:$0x2]  }
0x3a4: {  	s0 =	sadd.s32 @!p0 $0x100000, s0  }
0x3a5: {  	[sflag:s0] =	ssyncadd.tile.s32 @!p0 $0x1;
	_ =	shalt  }
.LBB2_1:
.Ltmp3:
0x3a6: {  	(pc) =	sbr.rel .LBB2_6-.Ltmp3, $2  }
0x3a7: {  	_ =	sdelay $0x2  }
0x3a8: {  	s15 =	sld [smem:$0x7AC]  }
.LBB2_3:
.Ltmp4:
0x3a9: {  	(pc) =	sbr.rel .LBB2_6-.Ltmp4, $3  }
0x3aa: {  	_ =	sdelay $0x1  }
0x3ab: {  	s15 =	sld [smem:$0x7AC];
	s31 =	simm.s32 $0x12400;
	s0 =	simm.s32 $0x1A400  }
0x3ac: {  	s1 =	simm.s32 $0x19400;
	s11 =	simm.s32 $0x18400;
	s7 =	simm.s32 $0x3400  }
.Lfunc_end2:
_tile_overlayer_lowered:
.L_overlay_start_2:
0x3ad: {  	(tag) =	ssettag $0x2  }
0x3ae: {  	s0 =	rddreg [dreg:$0x0];
	s2 =	stileid.u32  }
0x3af: {  	s1 =	rddreg [dreg:$0x1];
	p0 =	sne.s32 s2, $0x0  }
0x3b0: {  	s3 =	rddreg [dreg:$0x2];
	[bflag:$0x3] =	sbarrier.arrive $0xFFFF;
	s2 =	simm.s32 @!p0 $0x1C05  }
0x3b1: {  	[timem:s3], [sflag:s2] =	dma.local @!p0 [hbm:s0], s1  }
0x3b2: {  	s0 =	simm.s32 @!p0 $0x5  }
0x3b3: {  	_ =	swait.ge @!p0 [sflag:s0], s1  }
0x3b4: {  	s1 =	ssub.s32 @!p0 $0x0, s1;
	[sflag:s0] =	ssyncset.done @!p0 $0x0  }
0x3b5: {  	[sflag:s0] =	ssyncadd.s32 @!p0 s1  }
0x3b6: {  	[bflag:$0x3] =	sbarrier.arrive $0xFFFF  }
0x3b7: {  	_ =	shalt  }

// kernel: sparse-core-data-format-call.cloned.1.call-start
scs
called_computation_lowered:
.L_overlay_start_0:
0x0: {  	s2 =	sld [smem:$0x3FD9]  }
0x1: {  	s3 =	sld [smem:$0x3FFE];
	_ =	sdelay $0x1  }
0x2: {  	s1 =	srdreg.scid  }
0x3: {  	s0 =	sand.u32 $0x1, s1  }
0x4: {  	s18 =	sshll.u32 s0, $0xA;
	s2 =	sadd.s32 s3, s2  }
0x5: {  	s2 =	sadd.s32 s2, s18  }
0x6: {  	[smem:$0x3FC6] =	sst s2  }
0x7: {  	_ = 	snop  }
0x8: {  	s2 =	sld [smem:$0x3FD0];
	(tm) =	ssettm $0x1  }
0x9: {  	s19 =	sld [smem:$0x3FFB];
	_ =	sdelay $0x3  }
0xa: {  	_ =	strace s19  }
0xb: {  	s3 =	sld [smem:$0x3FFC];
	_ =	sdelay $0x3  }
0xc: {  	_ =	strace s3  }
0xd: {  	s3 =	sld [smem:$0x3FFD];
	_ =	sdelay $0x3  }
0xe: {  	_ =	strace s3  }
0xf: {  	_ =	strace $0x8FFFFFFF  }
0x10: {  	s20 =	sld [smem:$0x3FDB];
	_ =	sdelay $0x1  }
0x11: {  	s4 =	simm.s32 $_scs_section_size  }
0x12: {  	s5 =	simm.s32 $_size__tile_overlayer_lowered;
	s6 =	simm.s32 $_tile_overlayer_lowered  }
0x13: {  	s23 =	simm.s32 $0x1BFF;
	s22 =	sshll.u32 s6, $0x1;
	s3 =	sadd.s32 s4, s20  }
0x14: {  	s7 =	simm.s32 $0x0;
	s21 =	sshll.u32 s5, $0x1;
	s5 =	sadd.s32 s22, s3  }
0x15: {  	[timem:s7], [sflag:s23] =	dma.local [hbm:s5], s21  }
0x16: {  	_ =	swait.ge [sflag:s23], s21  }
0x17: {  	s4 =	ssub.s32 $0x0, s21;
	[sflag:s23] =	ssyncset.done $0x0  }
0x18: {  	[sflag:s23] =	ssyncadd.s32 s4;
	_ =	sdelay $0x1  }
0x19: {  	s24 =	simm.s32 $0x1B8B  }
0x1a: {  	_ =	swait.ge [sflag:s24], $0x1  }
0x1b: {  	[sflag:s24] =	ssyncset.done $0x0  }
0x1c: {  	s26 =	simm.s32 $0x1B8E;
	s25 =	sld [smem:$0x3FFE];
	[sflag:s24] =	ssyncadd.s32 $0xFFFFFFFF  }
0x1d: {  	s27 =	simm.s32 $execute0_lowered;
	[smem:$0x3FD2] =	sst s26  }
0x1e: {  	s5 =	sshll.u32 s27, $0x1;
	_ =	strace $0x80000049;
	[dreg:$0x1] =	wrdreg $0xFFFFFFFF  }
0x1f: {  	s28 =	simm.s32 $_size_execute0_lowered;
	s3 =	sadd.s32 s3, s5;
	[dreg:$0x0] =	wrdreg $0x0  }
0x20: {  	s5 =	sshll.u32 s28, $0x1;
	[dreg:$0x2] =	wrdreg s3  }
0x21: {  	[dreg:$0x3] =	wrdreg s5  }
0x22: {  	[dreg:$0x4] =	wrdreg $0xC0  }
0x23: {  	_ =	task [dreg:s7], $0x5FFFF  }
0x24: {  	[dreg:$0x1] =	wrdreg $0xFFFFFFFF  }
0x25: {  	[dreg:$0x0] =	wrdreg $0x60  }
0x26: {  	[dreg:$0x2] =	wrdreg s25  }
0x27: {  	[dreg:$0x3] =	wrdreg s2  }
0x28: {  	[dreg:$0x4] =	wrdreg $0x9  }
0x29: {  	_ =	task.clear_ibuf [dreg:s7], $0x5FFFF;
	_ =	strace $0x90000049  }
0x2a: {  	s29 =	simm.s32 $0x9;
	_ =	strace $0x8000004B  }
0x2b: {  	_ =	swait.ge [sflag:s29], $0x1  }
0x2c: {  	[sflag:s29] =	ssyncadd.s32 $0xFFFFFFFF  }
0x2d: {  	_ =	strace $0x9000004B  }
0x2e: {  	_ =	sfence  }
0x2f: {  	s30 =	sld [smem:$0x0];
	_ =	sdelay $0x2  }
0x30: {  	s31 =	sshll.u32 s1, $0xD;
	s1 =	sshrl.u32 s1, $0x2  }
0x31: {  	s3 =	sand.u32 $0x4000, s31;
	s1 =	sadd.s32 s1, s30  }
0x32: {  	s0 =	sor.u32 s3, s0;
	s1 =	sshll.u32 s1, $0x11  }
0x33: {  	s0 =	sor.u32 s1, s0  }
0x34: {  	s0 =	sadd.s32 $0x8F2B, s0  }
0x35: {  	[sflag:s0] =	ssyncadd.remote.s32 $0x1  }
0x36: {  	_ =	sfence.sel $0xFFFF  }
0x37: {  	[dreg:$0x0] =	wrdreg $0xFFFFFFFF;
	(pc) =	sbr.abs _section_cstart, $3  }
0x38: {  	[dreg:$0x1] =	wrdreg $0xFFFFFFFF  }
0x39: {  	_ =	task.clear_ibuf [dreg:s7], $0x2FFFF;
	_ =	strace $0x9FFFFFFF  }
0x3a: {  	(tm) =	ssettm $0x7FFFFFFF  }
0x3b: {  	_ =	shalt  }
tec
execute0_lowered:
.L_overlay_start_1:
0x0: {  	(tag) =	ssettag $0x1  }
0x1: {  	s0 =	srdreg.scid  }
0x2: {  	s1 =	sshll.u32 s0, $0x4  }
0x3: {  	s0 =	stileid.u32;
	s1 =	sand.u32 $0x10, s1  }
0x4: {  	s1 =	sor.u32 s0, s1  }
0x5: {  	s6 =	rddreg [dreg:$0x0];
	s4 =	simm.s32 $0x1;
	s2 =	sshll.u32 s1, $0x7  }
0x6: {  	s7 =	simm.s32 $0x2;
	s12 =	simm.s32 $0x0;
	s1 =	ssub.s32 $0x4000, s2  }
0x7: {  	s8 =	simm.s32 $0x20000;
	s13 =	simm.s32 $0x0;
	s3 =	sand.u32 $0xF80, s1  }
0x8: {  	s9 =	simm.s32 $0x0;
	s5 =	sshrl.u32 s1, $0xC;
	p0 =	sne.s32 s3, $0x0  }
.Ltmp0:
0x9: {  	s1 =	rddreg [dreg:$0x2];
	s4 =	simm.s32 @!p0 $0x0;
	(pc) =	sbr.rel .LBB1_1-.Ltmp0, $4  }
0xa: {  	s11 =	simm.s32 $0x0;
	s3 =	rddreg [dreg:$0x1];
	s5 =	sadd.s32 s4, s5  }
0xb: {  	_ =	strace $0x8000004A;
	s4 =	simm.s32 $0x1;
	s5 =	smul.u32 $0x1A, s5  }
0xc: {  	s6 =	sadd.s32 $0xC00, s6;
	s10 =	smov.u32 s2;
	[sflag:s4] =	ssyncpa.u1 $0x0  }
0xd: {  	p0 =	por $0x0, $0x0;
	[sflag:s7] =	ssyncpa.u1 $0x0;
	s7 =	sor.u32 $0x1, s5  }
.LBB1_4:
0xe: {  	s16 =	sshll.u32 s13, $0x3;
	s17 =	sand.u32 $0x78, s13  }
0xf: {  	s30 =	sand.u32 $0xF800, s13;
	s12 =	sshll.u32 s12, $0x10;
	s16 =	sand.u32 $0x3C00, s16  }
0x10: {  	s31 =	sand.u32 $0x7, s13;
	s16 =	sor.u32 s17, s16;
	s17 =	sadd.s32 s3, s30  }
0x11: {  	s13 =	sshll.u32 s31, $0x12;
	s16 =	sshrl.u32 s16, $0x3;
	s12 =	sadd.s32 s12, s17  }
0x12: {  	[tilespmem:s15+$0x0 ss:$0x81] =	vst.msk $0xffff, v0;
	s13 =	sor.u32 $0x400, s13;
	s12 =	sadd.s32 s16, s12  }
0x13: {  	[hbm4b:s12+s13] =	stream.strided.scatter [tilespmem:s14], [sflag:$0x2], $0x1000, s8, s13, $0x20;
	[tilespmem:$0x4040] =	vst v63  }
.LBB1_5:
0x14: {  	s14 =	sadd.s32 $0x1, s9  }
0x15: {  	s12 =	sadd.s32 $0x1000, s10;
	s16 =	smov.u32 s10;
	p2 =	sgt.s32 s14, $0x19  }
0x16: {  	s16 =	smov.u32 @p2 s12  }
0x17: {  	s14 =	simm.s32 @p2 $0x0;
	p2 =	sgt.s32 s16, $0x3FFF  }
0x18: {  	s16 =	smov.u32 @p2 s2;
	p2 =	sne.s32 s11, s7  }
.Ltmp1:
0x19: {  	p1 =	slt.u32 s11, $0x2;
	(pc) =	sbr.rel @!p2 .LBB1_6-.Ltmp1, $4  }
0x1a: {  	s15 =	simm.s32 @!p1 $0x2  }
0x1b: {  	s13 =	smov.u32 s10;
	p0 =	por !p0, !p0;
	_ =	swait.ge @!p1 [sflag:s15], $0x1000  }
0x1c: {  	s12 =	smov.u32 s9;
	[sflag:s15] =	ssyncset.done @!p1 $0x0;
	s9 =	smov.u32 s14  }
0x1d: {  	s11 =	sadd.s32 $0x1, s11;
	[sflag:s15] =	ssyncadd.s32 @!p1 $0xFFFFF000;
	s10 =	smov.u32 s16  }
.LBB1_1:
0x1e: {  	p1 =	sge.u32 s11, s5  }
0x1f: {  	s31 =	sadd.s32 $0xFFFFFFFF, s11;
	s14 =	sxor.u32 @!p1 $0xFFFFFFFF, s11  }
0x20: {  	s15 =	sshll.u32 @!p1 s10, $0x9;
	s16 =	sshll.u32 @!p1 s9, $0x4;
	s17 =	simm.s32 @!p1 $0x1000  }
0x21: {  	s14 =	sshll.u32 @!p1 s14, $0xC;
	s16 =	sand.u32 @!p1 $0x1F0, s16;
	s15 =	sadd.s32 @!p1 s6, s15  }
0x22: {  	s14 =	sand.u32 @!p1 $0x1000, s14;
	s15 =	sadd.s32 @!p1 s16, s15;
	s16 =	simm.s32 @!p1 $0x20  }
0x23: {  	[tilespmem:s14], [sflag:$0x1] =	stream.strided.gather @!p1 [hbm4b:s15+s16], $0x1000, s17, s16, $0x38;
	[tilespmem:$0x4040] =	vst v63  }
0x24: {  	p1 =	sge.u32 s31, s5  }
.Ltmp2:
0x25: {  	_ = 	snop;
	(pc) =	sbr.rel @p1 .LBB1_5-.Ltmp2, $1  }
0x26: {  	_ =	sdelay $0x3  }
0x27: {  	s14 =	simm.s32 $0x1  }
0x28: {  	_ =	swait.ge [sflag:s4], $0x1000;
	s14 =	simm.s32 @!p0 $0x0  }
0x29: {  	[sflag:s4] =	ssyncset.done $0x0;
	s15 =	sshll.u32 s14, $0xC  }
0x2a: {  	[sflag:s4] =	ssyncadd.s32 $0xFFFFF000;
	s18 =	sor.u32 $0x10, s15  }
0x2b: {  	s14 =	smul.u32 $0x4080, s14;
	v1 =	vld [tilespmem:s18+$0x0]  }
0x2c: {  	s30 =	sand.u32 $0x1, s11;
	v0 =	vld [tilespmem:s18+$0xFFFFFFF0]  }
0x2d: {  	s15 =	smul.u32 $0x4080, s30;
	s14 =	sshrl.u32 s14, $0x2  }
0x2e: {  	s16 =	sor.u32 $0x2000, s14  }
0x2f: {  	s31 =	sshrl.u32 s15, $0x2;
	s15 =	sadd.s32 $0x0, s16  }
0x30: {  	s17 =	simm.s32 $0x4;
	s18 =	sadd.s32 $0x20, s18;
	s14 =	sor.u32 $0x2000, s31;
	[tilespmem:s15+$0x810 ss:$0x81] =	vst.msk $0xffff, v1  }
.LBB1_3:
0x31: {  	v1 =	vld [tilespmem:s18+$0x0];
	p1 =	sne.s32 s17, $0x1FC;
	[tilespmem:s15+$0x0 ss:$0x81] =	vst.msk $0xffff, v0;
	s15 =	smov.u32 s17;
	s17 =	sadd.s32 $0x4, s17  }
.Ltmp3:
0x32: {  	v0 =	vld [tilespmem:s18+$0xFFFFFFF0];
	(pc) =	sbr.rel @p1 .LBB1_3-.Ltmp3, $4  }
0x33: {  	_ = 	snop  }
0x34: {  	s15 =	sshra.s32 s15, $0x2  }
0x35: {  	s15 =	sadd.s32 s15, s16  }
0x36: {  	s18 =	sadd.s32 $0x20, s18;
	[tilespmem:s15+$0x810 ss:$0x81] =	vst.msk $0xffff, v1  }
.Ltmp4:
0x37: {  	_ = 	snop;
	(pc) =	sbr.rel .LBB1_4-.Ltmp4, $1  }
0x38: {  	_ =	sdelay $0x3  }
.LBB1_6:
0x39: {  	_ =	sfence.sel $0x180000  }
0x3a: {  	s2 =	simm.s32 $0x1;
	[bflag:$0x0] =	sbarrier.arrive $0xFFFF  }
0x3b: {  	s31 =	simm.s32 $0x2;
	[sflag:s2] =	ssyncpa.u1 $0x1  }
0x3c: {  	[sflag:s31] =	ssyncpa.u1 $0x1  }
0x3d: {  	p0 =	sne.s32 s0, $0x0;
	_ =	strace $0x9000004A  }
0x3e: {  	s0 =	sadd.s32 @!p0 $0x100000, s1;
	[bflag:$0x2] =	sbarrier.arrive $0xFFFF  }
0x3f: {  	[sflag:s0] =	ssyncadd.tile.s32 @!p0 $0x1;
	_ =	shalt  }
.Lfunc_end1:
_tile_overlayer_lowered:
.L_overlay_start_2:
0x40: {  	(tag) =	ssettag $0x2  }
0x41: {  	s0 =	rddreg [dreg:$0x0];
	s2 =	stileid.u32  }
0x42: {  	s1 =	rddreg [dreg:$0x1];
	p0 =	sne.s32 s2, $0x0  }
0x43: {  	s3 =	rddreg [dreg:$0x2];
	[bflag:$0x3] =	sbarrier.arrive $0xFFFF;
	s2 =	simm.s32 @!p0 $0x1C01  }
0x44: {  	[timem:s3], [sflag:s2] =	dma.local @!p0 [hbm:s0], s1  }
0x45: {  	s0 =	simm.s32 @!p0 $0x1  }
0x46: {  	_ =	swait.ge @!p0 [sflag:s0], s1  }
0x47: {  	s1 =	ssub.s32 @!p0 $0x0, s1;
	[sflag:s0] =	ssyncset.done @!p0 $0x0  }
0x48: {  	[sflag:s0] =	ssyncadd.s32 @!p0 s1  }
0x49: {  	[bflag:$0x3] =	sbarrier.arrive $0xFFFF  }
0x4a: {  	_ =	shalt  }

</sc_bundles>
